<compile_context>
chip_gen: v7x
topology: tpu7x:2x2x1
jax: 0.10.2.dev20260603
libtpu: 0.0.44.dev20260713+nightly
codegen_flags: <defaults>
</compile_context>

<pallas_src>
import jax
import jax.numpy as jnp
import numpy as np
from jax import lax
from jax.experimental import pallas as pl
from jax.experimental.pallas import tpu as pltpu
from jax.experimental.pallas import tpu_sc as plsc

_N = 32768
_K = 8192
_L = 16
_NW = 16
_CHUNK = _N // _NW
_NV = _CHUNK // _L
_NB = 256
_NBV = _NB // _L
_FOFF = 4 * _NB

_MININT = np.int32(-(2**31))
_M31 = np.int32(0x7FFFFFFF)


def _srl(x, amount):
    return lax.shift_right_logical(x, jnp.full(x.shape, amount, jnp.int32))


_HALF = _CHUNK // 2


def _sc_body(x_hbm, out_hbm, xv, ub, hist, gh, bi3, bi2, bi1, bi0,
             fidx, finv, faccv, outv, flags, shacc, shaccf, dsem, dsem2):
    sid = lax.axis_index("s")
    cid = lax.axis_index("c")
    base = sid * _CHUNK
    xcopy = pltpu.async_copy(x_hbm.at[pl.ds(base, _HALF)],
                             xv.at[pl.ds(0, _HALF)], dsem)
    xcopy2 = pltpu.async_copy(x_hbm.at[pl.ds(base + _HALF, _HALF)],
                              xv.at[pl.ds(_HALF, _HALF)], dsem2)

    ones = jnp.ones((_L,), jnp.int32)
    lane = jnp.arange(_L, dtype=jnp.int32)

    def ib(v, c):
        idx = lane + v * _L
        bi3[pl.ds(v * _L, _L)] = idx
        bi2[pl.ds(v * _L, _L)] = idx + _NB
        bi1[pl.ds(v * _L, _L)] = idx + 2 * _NB
        bi0[pl.ds(v * _L, _L)] = idx + 3 * _NB
        gh[pl.ds(v * _L, _L)] = jnp.zeros((_L,), jnp.int32)
        return c

    lax.fori_loop(0, _NBV, ib, jnp.int32(0))
    fidx[...] = lane

    @pl.when(sid < 4)
    def _():
        pltpu.sync_copy(gh, shacc.at[pl.ds(sid * _NB, _NB)])

    @pl.when(sid == 4)
    def _():
        finv[...] = jnp.zeros((_L,), jnp.float32)
        pltpu.sync_copy(finv, shaccf)

    phi = jnp.int32(0)
    kr = jnp.int32(_K)

    for p in (3, 2, 1, 0):
        shift = 8 * p

        def zb(v, c):
            hist[pl.ds(v * _L, _L)] = jnp.zeros((_L,), jnp.int32)
            return c

        lax.fori_loop(0, _NBV, zb, jnp.int32(0))

        if p == 3:
            def hb(i, c):
                for j in range(2):
                    off = i * (2 * _L) + j * _L
                    xb = xv[pl.ds(off, _L)]
                    ibits = plsc.bitcast(xb, jnp.int32)
                    ks = jnp.where(ibits >= 0, ibits, ibits ^ _M31)
                    u = ks ^ _MININT
                    ub[pl.ds(off, _L)] = u
                    f = _srl(u, 24) & 0xFF
                    plsc.addupdate_scatter(hist, [f], ones)
                return c

            xcopy.wait()
            lax.fori_loop(0, _NV // 4, hb, jnp.int32(0))
            xcopy2.wait()
            lax.fori_loop(_NV // 4, _NV // 2, hb, jnp.int32(0))
        elif p == 2:
            phiv = jnp.full((_L,), phi, jnp.int32)

            def hb(i, c, _phiv=phiv):
                anyact = jnp.zeros((_L,), jnp.int32)
                for j in range(2):
                    off = i * (2 * _L) + j * _L
                    u = ub[pl.ds(off, _L)]
                    act = _srl(u, 24) == _phiv
                    anyact = anyact | act.astype(jnp.int32)
                    f = _srl(u, 16) & 0xFF
                    plsc.addupdate_scatter(hist, [f], ones, mask=act)
                flags[i] = jnp.max(anyact)
                return c

            lax.fori_loop(0, _NV // 2, hb, jnp.int32(0))
        else:
            phiv = jnp.full((_L,), phi, jnp.int32)

            def hb(i, c, _shift=shift, _phiv=phiv):
                fcur = flags[i]
                flags[i] = jnp.int32(0)

                @pl.when(fcur != 0)
                def _():
                    anyact = jnp.zeros((_L,), jnp.int32)
                    for j in range(2):
                        off = i * (2 * _L) + j * _L
                        u = ub[pl.ds(off, _L)]
                        act = _srl(u, _shift + 8) == _phiv
                        anyact = anyact | act.astype(jnp.int32)
                        f = _srl(u, _shift) & 0xFF
                        plsc.addupdate_scatter(hist, [f], ones, mask=act)
                    flags[i] = jnp.max(anyact)

                return c

            lax.fori_loop(0, _NV // 2, hb, jnp.int32(0))

        bip = {3: bi3, 2: bi2, 1: bi1, 0: bi0}[p]
        if p == 3:
            plsc.subcore_barrier()
        pltpu.sync_copy(hist, shacc.at[bip], add=True)
        plsc.subcore_barrier()
        pltpu.sync_copy(shacc.at[pl.ds((3 - p) * _NB, _NB)], gh)

        bidx = lane * _L
        tvec = plsc.load_gather(gh, [bidx])
        for j in range(1, _L):
            tvec = tvec + plsc.load_gather(gh, [bidx + j])
        st = lax.rev(plsc.cumsum(lax.rev(tvec, (0,))), (0,))
        condv = st >= kr
        vstar = jnp.sum(jnp.where(condv, 1, 0)) - 1
        stv = jnp.min(jnp.where(condv, st, _M31))
        hv = gh[pl.ds(vstar * _L, _L)]
        tv_ = jnp.sum(hv)
        s2 = lax.rev(plsc.cumsum(lax.rev(hv, (0,))), (0,)) + (stv - tv_)
        cond2 = s2 >= kr
        c2 = jnp.sum(jnp.where(cond2, 1, 0))
        sel_in = jnp.sum(jnp.where(cond2, hv, 0))
        bstar = vstar * _L + c2 - 1
        kr = kr - stv + sel_in
        phi = lax.shift_left(phi, jnp.int32(8)) | bstar

    phis = phi ^ _MININT

    def sm(i, a):
        for j in range(4):
            off = i * (4 * _L) + j * _L
            u = ub[pl.ds(off, _L)]
            xb = xv[pl.ds(off, _L)]
            gt = (u ^ _MININT) > phis
            a = a + jnp.where(gt, xb, jnp.float32(0))
        return a

    acc = lax.fori_loop(0, _NV // 4, sm, jnp.zeros((_L,), jnp.float32))
    sloc = jnp.sum(acc)

    finv[...] = jnp.full((_L,), sloc, jnp.float32)
    pltpu.sync_copy(finv, shaccf.at[fidx], add=True)
    plsc.subcore_barrier()
    pltpu.sync_copy(shaccf, faccv)

    stot = faccv[...]

    pv = jnp.full((_L,), phi, jnp.int32)
    ksv = pv ^ _MININT
    bits = jnp.where(ksv >= 0, ksv, ksv ^ _M31)
    tv = plsc.bitcast(bits, jnp.float32)
    krf = jnp.full((_L,), kr, jnp.int32).astype(jnp.float32)
    res = (stot + krf * tv) * jnp.float32(1.0 / _K)

    @pl.when((cid == 0) & (sid == 0))
    def _():
        outv[...] = res
        pltpu.sync_copy(outv.at[pl.ds(0, 1)], out_hbm)


def _make_kernel():
    mesh = plsc.VectorSubcoreMesh(core_axis_name="c", subcore_axis_name="s",
                                  num_cores=1)
    return pl.kernel(
        _sc_body,
        out_type=jax.ShapeDtypeStruct((1,), jnp.float32),
        mesh=mesh,
        compiler_params=pltpu.CompilerParams(needs_layout_passes=False),
        scratch_types=[
            pltpu.VMEM((_CHUNK,), jnp.float32),
            pltpu.VMEM((_CHUNK,), jnp.int32),
            pltpu.VMEM((_NB,), jnp.int32),
            pltpu.VMEM((_NB,), jnp.int32),
            pltpu.VMEM((_NB,), jnp.int32),
            pltpu.VMEM((_NB,), jnp.int32),
            pltpu.VMEM((_NB,), jnp.int32),
            pltpu.VMEM((_NB,), jnp.int32),
            pltpu.VMEM((_L,), jnp.int32),
            pltpu.VMEM((_L,), jnp.float32),
            pltpu.VMEM((_L,), jnp.float32),
            pltpu.VMEM((_L,), jnp.float32),
            pltpu.SMEM((_NV // 2,), jnp.int32),
            pltpu.VMEM_SHARED((_FOFF,), jnp.int32),
            pltpu.VMEM_SHARED((_L,), jnp.float32),
            pltpu.SemaphoreType.DMA,
            pltpu.SemaphoreType.DMA,
        ],
    )


def kernel(x):
    out = _make_kernel()(x)
    return out.reshape(())

# --- scband reference (transcript-rebuilt; emitter-appended) ---
"""Pipeline reference for scband-adv-ohem-2147483648454 (READ-ONLY COPY).

The authoritative reference and input builder live on the scoring server;
editing this copy changes nothing except your own understanding.
"""

import jax, jax.numpy as jnp
import numpy as np

RATIO = 0.25

def setup_inputs(seed: int = 0) -> dict:
    key = jax.random.key(seed)
    x = jax.random.normal(key, (32768,), dtype=jnp.float32)
    return {"x": x}

def reference(x):
    num_inst = x.shape[0]
    num_hns = int(RATIO * num_inst)
    # inst_losses is just a copy of x (detached); topk over it
    _, idxs = jax.lax.top_k(x, num_hns)
    x_hn = jnp.take(x, idxs, axis=0)
    return jnp.mean(x_hn)

if __name__ == "__main__":
    import jax
    _d = setup_inputs()
    print(jax.jit(kernel)(*tuple(_d.values())))

</pallas_src>

<mosaic_0001>
#map = affine_map<(d0, d1) -> (0)>
module attributes {stable_mosaic.version = 14 : i64} {
  func.func @_sc_body(%arg0: i32, %arg1: i32, %arg2: memref<32768xf32, #tpu.memory_space<hbm>>, %arg3: memref<1xf32, #tpu.memory_space<hbm>>, %arg4: memref<2048xf32, #tpu.memory_space<vmem>>, %arg5: memref<2048xi32, #tpu.memory_space<vmem>>, %arg6: memref<256xi32, #tpu.memory_space<vmem>>, %arg7: memref<256xi32, #tpu.memory_space<vmem>>, %arg8: memref<256xi32, #tpu.memory_space<vmem>>, %arg9: memref<256xi32, #tpu.memory_space<vmem>>, %arg10: memref<256xi32, #tpu.memory_space<vmem>>, %arg11: memref<256xi32, #tpu.memory_space<vmem>>, %arg12: memref<16xi32, #tpu.memory_space<vmem>>, %arg13: memref<16xf32, #tpu.memory_space<vmem>>, %arg14: memref<16xf32, #tpu.memory_space<vmem>>, %arg15: memref<16xf32, #tpu.memory_space<vmem>>, %arg16: memref<64xi32, #tpu.memory_space<smem>>, %arg17: memref<1024xi32, #tpu.memory_space<vmem_shared>>, %arg18: memref<16xf32, #tpu.memory_space<vmem_shared>>, %arg19: memref<!tpu.dma_semaphore, #tpu.memory_space<semaphore_mem>>, %arg20: memref<!tpu.dma_semaphore, #tpu.memory_space<semaphore_mem>>) attributes {dimension_semantics = [#tpu.dimension_semantics<core_parallel>, #tpu.dimension_semantics<subcore_parallel>], iteration_bounds = array<i64: 1, 16>, scalar_prefetch = 0 : i64, scratch_operands = 17 : i64, tpu.core_type = #tpu.core_type<sc_vector_subcore>, window_params = [{transform_indices = #map}, {transform_indices = #map}]} {
    %mul3A = arith.constant 2048 : i32
    %mul3A_0 = arith.muli %arg1, %mul3A : i32
    %dma_start3A = arith.constant 0 : i32
    %dma_start3A_1 = tpu.memref_slice %arg4[%dma_start3A] : memref<2048xf32, #tpu.memory_space<vmem>> -> memref<1024xf32, #tpu.memory_space<vmem>>
    %dma_start3A_2 = tpu.memref_slice %arg2[%mul3A_0] : memref<32768xf32, #tpu.memory_space<hbm>> -> memref<1024xf32, #tpu.memory_space<hbm>>
    %dma_start3A_3 = arith.constant 0 : i32
    %dma_start3A_4 = tpu.memref_slice %arg4[%dma_start3A_3] : memref<2048xf32, #tpu.memory_space<vmem>> -> memref<1024xf32, #tpu.memory_space<vmem>>
    %dma_start3A_5 = tpu.memref_slice %arg2[%mul3A_0] : memref<32768xf32, #tpu.memory_space<hbm>> -> memref<1024xf32, #tpu.memory_space<hbm>>
    tpu.enqueue_dma source(%dma_start3A_5 : memref<1024xf32, #tpu.memory_space<hbm>>) target(%dma_start3A_4 : memref<1024xf32, #tpu.memory_space<vmem>>) target_semaphore(%arg19 : memref<!tpu.dma_semaphore, #tpu.memory_space<semaphore_mem>>)
    %add3A = arith.constant 1024 : i32
    %add3A_6 = arith.addi %mul3A_0, %add3A : i32
    %dma_start3A_7 = arith.constant 1024 : i32
    %dma_start3A_8 = tpu.memref_slice %arg4[%dma_start3A_7] : memref<2048xf32, #tpu.memory_space<vmem>> -> memref<1024xf32, #tpu.memory_space<vmem>>
    %dma_start3A_9 = tpu.memref_slice %arg2[%add3A_6] : memref<32768xf32, #tpu.memory_space<hbm>> -> memref<1024xf32, #tpu.memory_space<hbm>>
    %dma_start3A_10 = arith.constant 1024 : i32
    %dma_start3A_11 = tpu.memref_slice %arg4[%dma_start3A_10] : memref<2048xf32, #tpu.memory_space<vmem>> -> memref<1024xf32, #tpu.memory_space<vmem>>
    %dma_start3A_12 = tpu.memref_slice %arg2[%add3A_6] : memref<32768xf32, #tpu.memory_space<hbm>> -> memref<1024xf32, #tpu.memory_space<hbm>>
    tpu.enqueue_dma source(%dma_start3A_12 : memref<1024xf32, #tpu.memory_space<hbm>>) target(%dma_start3A_11 : memref<1024xf32, #tpu.memory_space<vmem>>) target_semaphore(%arg20 : memref<!tpu.dma_semaphore, #tpu.memory_space<semaphore_mem>>)
    %broadcast_in_dim3A = arith.constant 1 : i32
    %broadcast_in_dim3A_13 = vector.broadcast %broadcast_in_dim3A : i32 to vector<16xi32>
    %iota3A = tpu.iota {dimensions = array<i32: 0>} : vector<16xi32>
    %scan3A = arith.constant 0 : i32
    %scan3A_14 = arith.constant 0 : i32
    %scan3A_15 = arith.constant 16 : i32
    %scan3A_16 = arith.addi %scan3A_14, %scan3A_15 : i32
    %scan3A_17 = arith.constant 1 : i32
    scf.for %scan3A_806 = %scan3A_14 to %scan3A_16 step %scan3A_17  : i32 {
      %mul3A_807 = arith.constant 16 : i32
      %mul3A_808 = arith.muli %scan3A_806, %mul3A_807 : i32
      %add3A_809 = vector.broadcast %mul3A_808 : i32 to vector<16xi32>
      %add3A_810 = arith.addi %iota3A, %add3A_809 : vector<16xi32>
      %mul3A_811 = arith.constant 16 : i32
      %mul3A_812 = arith.muli %scan3A_806, %mul3A_811 : i32
      %swap3A_813 = arith.index_cast %mul3A_812 : i32 to index
      %swap3A_814 = tpu.vector_load %arg8[%swap3A_813] {strides = array<i32>} : memref<256xi32, #tpu.memory_space<vmem>>, vector<16xi32>,
      tpu.vector_store %arg8[%swap3A_813], %add3A_810 {strides = array<i32>} : memref<256xi32, #tpu.memory_space<vmem>>, vector<16xi32>,
      %add3A_815 = arith.constant 256 : i32
      %add3A_816 = vector.broadcast %add3A_815 : i32 to vector<16xi32>
      %add3A_817 = arith.addi %add3A_810, %add3A_816 : vector<16xi32>
      %mul3A_818 = arith.constant 16 : i32
      %mul3A_819 = arith.muli %scan3A_806, %mul3A_818 : i32
      %swap3A_820 = arith.index_cast %mul3A_819 : i32 to index
      %swap3A_821 = tpu.vector_load %arg9[%swap3A_820] {strides = array<i32>} : memref<256xi32, #tpu.memory_space<vmem>>, vector<16xi32>,
      tpu.vector_store %arg9[%swap3A_820], %add3A_817 {strides = array<i32>} : memref<256xi32, #tpu.memory_space<vmem>>, vector<16xi32>,
      %add3A_822 = arith.constant 512 : i32
      %add3A_823 = vector.broadcast %add3A_822 : i32 to vector<16xi32>
      %add3A_824 = arith.addi %add3A_810, %add3A_823 : vector<16xi32>
      %mul3A_825 = arith.constant 16 : i32
      %mul3A_826 = arith.muli %scan3A_806, %mul3A_825 : i32
      %swap3A_827 = arith.index_cast %mul3A_826 : i32 to index
      %swap3A_828 = tpu.vector_load %arg10[%swap3A_827] {strides = array<i32>} : memref<256xi32, #tpu.memory_space<vmem>>, vector<16xi32>,
      tpu.vector_store %arg10[%swap3A_827], %add3A_824 {strides = array<i32>} : memref<256xi32, #tpu.memory_space<vmem>>, vector<16xi32>,
      %add3A_829 = arith.constant 768 : i32
      %add3A_830 = vector.broadcast %add3A_829 : i32 to vector<16xi32>
      %add3A_831 = arith.addi %add3A_810, %add3A_830 : vector<16xi32>
      %mul3A_832 = arith.constant 16 : i32
      %mul3A_833 = arith.muli %scan3A_806, %mul3A_832 : i32
      %swap3A_834 = arith.index_cast %mul3A_833 : i32 to index
      %swap3A_835 = tpu.vector_load %arg11[%swap3A_834] {strides = array<i32>} : memref<256xi32, #tpu.memory_space<vmem>>, vector<16xi32>,
      tpu.vector_store %arg11[%swap3A_834], %add3A_831 {strides = array<i32>} : memref<256xi32, #tpu.memory_space<vmem>>, vector<16xi32>,
      %broadcast_in_dim3A_836 = arith.constant 0 : i32
      %broadcast_in_dim3A_837 = vector.broadcast %broadcast_in_dim3A_836 : i32 to vector<16xi32>
      %mul3A_838 = arith.constant 16 : i32
      %mul3A_839 = arith.muli %scan3A_806, %mul3A_838 : i32
      %swap3A_840 = arith.index_cast %mul3A_839 : i32 to index
      %swap3A_841 = tpu.vector_load %arg7[%swap3A_840] {strides = array<i32>} : memref<256xi32, #tpu.memory_space<vmem>>, vector<16xi32>,
      tpu.vector_store %arg7[%swap3A_840], %broadcast_in_dim3A_837 {strides = array<i32>} : memref<256xi32, #tpu.memory_space<vmem>>, vector<16xi32>,
    }
    %scan3A_18 = arith.constant 16 : i32
    %swap3A = arith.constant 0 : index
    %swap3A_19 = tpu.vector_load %arg12[%swap3A] {strides = array<i32>} : memref<16xi32, #tpu.memory_space<vmem>>, vector<16xi32>,
    tpu.vector_store %arg12[%swap3A], %iota3A {strides = array<i32>} : memref<16xi32, #tpu.memory_space<vmem>>, vector<16xi32>,
    %lt3A = arith.constant 4 : i32
    %lt3A_20 = arith.cmpi slt, %arg1, %lt3A : i32
    %convert_element_type3A = arith.extui %lt3A_20 : i1 to i32
    %cond3A = arith.constant 0 : i32
    %cond3A_21 = arith.cmpi ne, %convert_element_type3A, %cond3A : i32
    scf.if %cond3A_21 {
      %mul3A_806 = arith.constant 256 : i32
      %mul3A_807 = arith.muli %arg1, %mul3A_806 : i32
      "tpu.region"() ({
        %run_scoped3A = tpu.sem_alloc : memref<!tpu.dma_semaphore, #tpu.memory_space<semaphore_mem>>
        %dma_start3A_808 = tpu.memref_slice %arg17[%mul3A_807] : memref<1024xi32, #tpu.memory_space<vmem_shared>> -> memref<256xi32, #tpu.memory_space<vmem_shared>>
        %dma_start3A_809 = tpu.memref_slice %arg17[%mul3A_807] : memref<1024xi32, #tpu.memory_space<vmem_shared>> -> memref<256xi32, #tpu.memory_space<vmem_shared>>
        tpu.enqueue_dma source(%arg7 : memref<256xi32, #tpu.memory_space<vmem>>) target(%dma_start3A_809 : memref<256xi32, #tpu.memory_space<vmem_shared>>) target_semaphore(%run_scoped3A : memref<!tpu.dma_semaphore, #tpu.memory_space<semaphore_mem>>)
        %dma_wait3A_810 = tpu.memref_slice %arg17[%mul3A_807] : memref<1024xi32, #tpu.memory_space<vmem_shared>> -> memref<256xi32, #tpu.memory_space<vmem_shared>>
        %dma_wait3A_811 = tpu.memref_slice %arg17[%mul3A_807] : memref<1024xi32, #tpu.memory_space<vmem_shared>> -> memref<256xi32, #tpu.memory_space<vmem_shared>>
        tpu.wait_dma2 semaphore(%run_scoped3A : memref<!tpu.dma_semaphore, #tpu.memory_space<semaphore_mem>>) src(%arg7 : memref<256xi32, #tpu.memory_space<vmem>>) dst(%dma_wait3A_811 : memref<256xi32, #tpu.memory_space<vmem_shared>>)
        tpu.yield
      }) : () -> ()
    } else {
    }
    %eq3A = arith.constant 4 : i32
    %eq3A_22 = arith.cmpi eq, %arg1, %eq3A : i32
    %convert_element_type3A_23 = arith.extui %eq3A_22 : i1 to i32
    %cond3A_24 = arith.constant 0 : i32
    %cond3A_25 = arith.cmpi ne, %convert_element_type3A_23, %cond3A_24 : i32
    scf.if %cond3A_25 {
      %broadcast_in_dim3A_806 = arith.constant 0.000000e+00 : f32
      %broadcast_in_dim3A_807 = vector.broadcast %broadcast_in_dim3A_806 : f32 to vector<16xf32>
      %swap3A_808 = arith.constant 0 : index
      %swap3A_809 = tpu.vector_load %arg13[%swap3A_808] {strides = array<i32>} : memref<16xf32, #tpu.memory_space<vmem>>, vector<16xf32>,
      tpu.vector_store %arg13[%swap3A_808], %broadcast_in_dim3A_807 {strides = array<i32>} : memref<16xf32, #tpu.memory_space<vmem>>, vector<16xf32>,
      "tpu.region"() ({
        %run_scoped3A = tpu.sem_alloc : memref<!tpu.dma_semaphore, #tpu.memory_space<semaphore_mem>>
        tpu.enqueue_dma source(%arg13 : memref<16xf32, #tpu.memory_space<vmem>>) target(%arg18 : memref<16xf32, #tpu.memory_space<vmem_shared>>) target_semaphore(%run_scoped3A : memref<!tpu.dma_semaphore, #tpu.memory_space<semaphore_mem>>)
        tpu.wait_dma2 semaphore(%run_scoped3A : memref<!tpu.dma_semaphore, #tpu.memory_space<semaphore_mem>>) src(%arg13 : memref<16xf32, #tpu.memory_space<vmem>>) dst(%arg18 : memref<16xf32, #tpu.memory_space<vmem_shared>>)
        tpu.yield
      }) : () -> ()
    } else {
    }
    %scan3A_26 = arith.constant 0 : i32
    %scan3A_27 = arith.constant 0 : i32
    %scan3A_28 = arith.constant 16 : i32
    %scan3A_29 = arith.addi %scan3A_27, %scan3A_28 : i32
    %scan3A_30 = arith.constant 1 : i32
    scf.for %scan3A_806 = %scan3A_27 to %scan3A_29 step %scan3A_30  : i32 {
      %broadcast_in_dim3A_807 = arith.constant 0 : i32
      %broadcast_in_dim3A_808 = vector.broadcast %broadcast_in_dim3A_807 : i32 to vector<16xi32>
      %mul3A_809 = arith.constant 16 : i32
      %mul3A_810 = arith.muli %scan3A_806, %mul3A_809 : i32
      %swap3A_811 = arith.index_cast %mul3A_810 : i32 to index
      %swap3A_812 = tpu.vector_load %arg6[%swap3A_811] {strides = array<i32>} : memref<256xi32, #tpu.memory_space<vmem>>, vector<16xi32>,
      tpu.vector_store %arg6[%swap3A_811], %broadcast_in_dim3A_808 {strides = array<i32>} : memref<256xi32, #tpu.memory_space<vmem>>, vector<16xi32>,
    }
    %scan3A_31 = arith.constant 16 : i32
    %dma_wait3A = arith.constant 0 : i32
    %dma_wait3A_32 = tpu.memref_slice %arg4[%dma_wait3A] : memref<2048xf32, #tpu.memory_space<vmem>> -> memref<1024xf32, #tpu.memory_space<vmem>>
    %dma_wait3A_33 = tpu.memref_slice %arg2[%mul3A_0] : memref<32768xf32, #tpu.memory_space<hbm>> -> memref<1024xf32, #tpu.memory_space<hbm>>
    %dma_wait3A_34 = arith.constant 0 : i32
    %dma_wait3A_35 = tpu.memref_slice %arg4[%dma_wait3A_34] : memref<2048xf32, #tpu.memory_space<vmem>> -> memref<1024xf32, #tpu.memory_space<vmem>>
    %dma_wait3A_36 = tpu.memref_slice %arg2[%mul3A_0] : memref<32768xf32, #tpu.memory_space<hbm>> -> memref<1024xf32, #tpu.memory_space<hbm>>
    tpu.wait_dma2 semaphore(%arg19 : memref<!tpu.dma_semaphore, #tpu.memory_space<semaphore_mem>>) src(%dma_wait3A_36 : memref<1024xf32, #tpu.memory_space<hbm>>) dst(%dma_wait3A_35 : memref<1024xf32, #tpu.memory_space<vmem>>)
    %scan3A_37 = arith.constant 0 : i32
    %scan3A_38 = arith.constant 0 : i32
    %scan3A_39 = arith.constant 32 : i32
    %scan3A_40 = arith.addi %scan3A_38, %scan3A_39 : i32
    %scan3A_41 = arith.constant 1 : i32
    scf.for %scan3A_806 = %scan3A_38 to %scan3A_40 step %scan3A_41  : i32 {
      %mul3A_807 = arith.constant 32 : i32
      %mul3A_808 = arith.muli %scan3A_806, %mul3A_807 : i32
      %add3A_809 = arith.constant 0 : i32
      %add3A_810 = arith.addi %mul3A_808, %add3A_809 : i32
      %get3A_811 = arith.index_cast %add3A_810 : i32 to index
      %get3A_812 = tpu.vector_load %arg4[%get3A_811] {strides = array<i32>} : memref<2048xf32, #tpu.memory_space<vmem>>, vector<16xf32>,
      %bitcast3A_813 = vector.bitcast %get3A_812 : vector<16xf32> to vector<16xi32>
      %ge3A_814 = arith.constant 0 : i32
      %ge3A_815 = vector.broadcast %ge3A_814 : i32 to vector<16xi32>
      %ge3A_816 = arith.cmpi sge, %bitcast3A_813, %ge3A_815 : vector<16xi32>
      %xor3A_817 = arith.constant 2147483647 : i32
      %xor3A_818 = vector.broadcast %xor3A_817 : i32 to vector<16xi32>
      %xor3A_819 = arith.xori %bitcast3A_813, %xor3A_818 : vector<16xi32>
      %select_n3A_820 = arith.select %ge3A_816, %bitcast3A_813, %xor3A_819 : vector<16xi1>, vector<16xi32>
      %xor3A_821 = arith.constant -2147483648 : i32
      %xor3A_822 = vector.broadcast %xor3A_821 : i32 to vector<16xi32>
      %xor3A_823 = arith.xori %select_n3A_820, %xor3A_822 : vector<16xi32>
      %swap3A_824 = arith.index_cast %add3A_810 : i32 to index
      %swap3A_825 = tpu.vector_load %arg5[%swap3A_824] {strides = array<i32>} : memref<2048xi32, #tpu.memory_space<vmem>>, vector<16xi32>,
      tpu.vector_store %arg5[%swap3A_824], %xor3A_823 {strides = array<i32>} : memref<2048xi32, #tpu.memory_space<vmem>>, vector<16xi32>,
      %broadcast_in_dim3A_826 = arith.constant 24 : i32
      %broadcast_in_dim3A_827 = vector.broadcast %broadcast_in_dim3A_826 : i32 to vector<16xi32>
      %shift_right_logical3A = arith.shrui %xor3A_823, %broadcast_in_dim3A_827 : vector<16xi32>
      %and3A_828 = arith.constant 255 : i32
      %and3A_829 = vector.broadcast %and3A_828 : i32 to vector<16xi32>
      %and3A_830 = arith.andi %shift_right_logical3A, %and3A_829 : vector<16xi32>
      tpu.vector_store_idx %arg6[%and3A_830], %broadcast_in_dim3A_13 {add = true} : memref<256xi32, #tpu.memory_space<vmem>>[vector<16xi32>], vector<16xi32>,
      %mul3A_831 = arith.constant 32 : i32
      %mul3A_832 = arith.muli %scan3A_806, %mul3A_831 : i32
      %add3A_833 = arith.constant 16 : i32
      %add3A_834 = arith.addi %mul3A_832, %add3A_833 : i32
      %get3A_835 = arith.index_cast %add3A_834 : i32 to index
      %get3A_836 = tpu.vector_load %arg4[%get3A_835] {strides = array<i32>} : memref<2048xf32, #tpu.memory_space<vmem>>, vector<16xf32>,
      %bitcast3A_837 = vector.bitcast %get3A_836 : vector<16xf32> to vector<16xi32>
      %ge3A_838 = arith.constant 0 : i32
      %ge3A_839 = vector.broadcast %ge3A_838 : i32 to vector<16xi32>
      %ge3A_840 = arith.cmpi sge, %bitcast3A_837, %ge3A_839 : vector<16xi32>
      %xor3A_841 = arith.constant 2147483647 : i32
      %xor3A_842 = vector.broadcast %xor3A_841 : i32 to vector<16xi32>
      %xor3A_843 = arith.xori %bitcast3A_837, %xor3A_842 : vector<16xi32>
      %select_n3A_844 = arith.select %ge3A_840, %bitcast3A_837, %xor3A_843 : vector<16xi1>, vector<16xi32>
      %xor3A_845 = arith.constant -2147483648 : i32
      %xor3A_846 = vector.broadcast %xor3A_845 : i32 to vector<16xi32>
      %xor3A_847 = arith.xori %select_n3A_844, %xor3A_846 : vector<16xi32>
      %swap3A_848 = arith.index_cast %add3A_834 : i32 to index
      %swap3A_849 = tpu.vector_load %arg5[%swap3A_848] {strides = array<i32>} : memref<2048xi32, #tpu.memory_space<vmem>>, vector<16xi32>,
      tpu.vector_store %arg5[%swap3A_848], %xor3A_847 {strides = array<i32>} : memref<2048xi32, #tpu.memory_space<vmem>>, vector<16xi32>,
      %broadcast_in_dim3A_850 = arith.constant 24 : i32
      %broadcast_in_dim3A_851 = vector.broadcast %broadcast_in_dim3A_850 : i32 to vector<16xi32>
      %shift_right_logical3A_852 = arith.shrui %xor3A_847, %broadcast_in_dim3A_851 : vector<16xi32>
      %and3A_853 = arith.constant 255 : i32
      %and3A_854 = vector.broadcast %and3A_853 : i32 to vector<16xi32>
      %and3A_855 = arith.andi %shift_right_logical3A_852, %and3A_854 : vector<16xi32>
      tpu.vector_store_idx %arg6[%and3A_855], %broadcast_in_dim3A_13 {add = true} : memref<256xi32, #tpu.memory_space<vmem>>[vector<16xi32>], vector<16xi32>,
    }
    %scan3A_42 = arith.constant 32 : i32
    %dma_wait3A_43 = arith.constant 1024 : i32
    %dma_wait3A_44 = tpu.memref_slice %arg4[%dma_wait3A_43] : memref<2048xf32, #tpu.memory_space<vmem>> -> memref<1024xf32, #tpu.memory_space<vmem>>
    %dma_wait3A_45 = tpu.memref_slice %arg2[%add3A_6] : memref<32768xf32, #tpu.memory_space<hbm>> -> memref<1024xf32, #tpu.memory_space<hbm>>
    %dma_wait3A_46 = arith.constant 1024 : i32
    %dma_wait3A_47 = tpu.memref_slice %arg4[%dma_wait3A_46] : memref<2048xf32, #tpu.memory_space<vmem>> -> memref<1024xf32, #tpu.memory_space<vmem>>
    %dma_wait3A_48 = tpu.memref_slice %arg2[%add3A_6] : memref<32768xf32, #tpu.memory_space<hbm>> -> memref<1024xf32, #tpu.memory_space<hbm>>
    tpu.wait_dma2 semaphore(%arg20 : memref<!tpu.dma_semaphore, #tpu.memory_space<semaphore_mem>>) src(%dma_wait3A_48 : memref<1024xf32, #tpu.memory_space<hbm>>) dst(%dma_wait3A_47 : memref<1024xf32, #tpu.memory_space<vmem>>)
    %scan3A_49 = arith.constant 0 : i32
    %scan3A_50 = arith.constant 32 : i32
    %scan3A_51 = arith.constant 32 : i32
    %scan3A_52 = arith.addi %scan3A_50, %scan3A_51 : i32
    %scan3A_53 = arith.constant 1 : i32
    scf.for %scan3A_806 = %scan3A_50 to %scan3A_52 step %scan3A_53  : i32 {
      %mul3A_807 = arith.constant 32 : i32
      %mul3A_808 = arith.muli %scan3A_806, %mul3A_807 : i32
      %add3A_809 = arith.constant 0 : i32
      %add3A_810 = arith.addi %mul3A_808, %add3A_809 : i32
      %get3A_811 = arith.index_cast %add3A_810 : i32 to index
      %get3A_812 = tpu.vector_load %arg4[%get3A_811] {strides = array<i32>} : memref<2048xf32, #tpu.memory_space<vmem>>, vector<16xf32>,
      %bitcast3A_813 = vector.bitcast %get3A_812 : vector<16xf32> to vector<16xi32>
      %ge3A_814 = arith.constant 0 : i32
      %ge3A_815 = vector.broadcast %ge3A_814 : i32 to vector<16xi32>
      %ge3A_816 = arith.cmpi sge, %bitcast3A_813, %ge3A_815 : vector<16xi32>
      %xor3A_817 = arith.constant 2147483647 : i32
      %xor3A_818 = vector.broadcast %xor3A_817 : i32 to vector<16xi32>
      %xor3A_819 = arith.xori %bitcast3A_813, %xor3A_818 : vector<16xi32>
      %select_n3A_820 = arith.select %ge3A_816, %bitcast3A_813, %xor3A_819 : vector<16xi1>, vector<16xi32>
      %xor3A_821 = arith.constant -2147483648 : i32
      %xor3A_822 = vector.broadcast %xor3A_821 : i32 to vector<16xi32>
      %xor3A_823 = arith.xori %select_n3A_820, %xor3A_822 : vector<16xi32>
      %swap3A_824 = arith.index_cast %add3A_810 : i32 to index
      %swap3A_825 = tpu.vector_load %arg5[%swap3A_824] {strides = array<i32>} : memref<2048xi32, #tpu.memory_space<vmem>>, vector<16xi32>,
      tpu.vector_store %arg5[%swap3A_824], %xor3A_823 {strides = array<i32>} : memref<2048xi32, #tpu.memory_space<vmem>>, vector<16xi32>,
      %broadcast_in_dim3A_826 = arith.constant 24 : i32
      %broadcast_in_dim3A_827 = vector.broadcast %broadcast_in_dim3A_826 : i32 to vector<16xi32>
      %shift_right_logical3A = arith.shrui %xor3A_823, %broadcast_in_dim3A_827 : vector<16xi32>
      %and3A_828 = arith.constant 255 : i32
      %and3A_829 = vector.broadcast %and3A_828 : i32 to vector<16xi32>
      %and3A_830 = arith.andi %shift_right_logical3A, %and3A_829 : vector<16xi32>
      tpu.vector_store_idx %arg6[%and3A_830], %broadcast_in_dim3A_13 {add = true} : memref<256xi32, #tpu.memory_space<vmem>>[vector<16xi32>], vector<16xi32>,
      %mul3A_831 = arith.constant 32 : i32
      %mul3A_832 = arith.muli %scan3A_806, %mul3A_831 : i32
      %add3A_833 = arith.constant 16 : i32
      %add3A_834 = arith.addi %mul3A_832, %add3A_833 : i32
      %get3A_835 = arith.index_cast %add3A_834 : i32 to index
      %get3A_836 = tpu.vector_load %arg4[%get3A_835] {strides = array<i32>} : memref<2048xf32, #tpu.memory_space<vmem>>, vector<16xf32>,
      %bitcast3A_837 = vector.bitcast %get3A_836 : vector<16xf32> to vector<16xi32>
      %ge3A_838 = arith.constant 0 : i32
      %ge3A_839 = vector.broadcast %ge3A_838 : i32 to vector<16xi32>
      %ge3A_840 = arith.cmpi sge, %bitcast3A_837, %ge3A_839 : vector<16xi32>
      %xor3A_841 = arith.constant 2147483647 : i32
      %xor3A_842 = vector.broadcast %xor3A_841 : i32 to vector<16xi32>
      %xor3A_843 = arith.xori %bitcast3A_837, %xor3A_842 : vector<16xi32>
      %select_n3A_844 = arith.select %ge3A_840, %bitcast3A_837, %xor3A_843 : vector<16xi1>, vector<16xi32>
      %xor3A_845 = arith.constant -2147483648 : i32
      %xor3A_846 = vector.broadcast %xor3A_845 : i32 to vector<16xi32>
      %xor3A_847 = arith.xori %select_n3A_844, %xor3A_846 : vector<16xi32>
      %swap3A_848 = arith.index_cast %add3A_834 : i32 to index
      %swap3A_849 = tpu.vector_load %arg5[%swap3A_848] {strides = array<i32>} : memref<2048xi32, #tpu.memory_space<vmem>>, vector<16xi32>,
      tpu.vector_store %arg5[%swap3A_848], %xor3A_847 {strides = array<i32>} : memref<2048xi32, #tpu.memory_space<vmem>>, vector<16xi32>,
      %broadcast_in_dim3A_850 = arith.constant 24 : i32
      %broadcast_in_dim3A_851 = vector.broadcast %broadcast_in_dim3A_850 : i32 to vector<16xi32>
      %shift_right_logical3A_852 = arith.shrui %xor3A_847, %broadcast_in_dim3A_851 : vector<16xi32>
      %and3A_853 = arith.constant 255 : i32
      %and3A_854 = vector.broadcast %and3A_853 : i32 to vector<16xi32>
      %and3A_855 = arith.andi %shift_right_logical3A_852, %and3A_854 : vector<16xi32>
      tpu.vector_store_idx %arg6[%and3A_855], %broadcast_in_dim3A_13 {add = true} : memref<256xi32, #tpu.memory_space<vmem>>[vector<16xi32>], vector<16xi32>,
    }
    %scan3A_54 = arith.constant 32 : i32
    %barrier3A = arith.constant 0 : index
    tpu.barrier barrier_id(%barrier3A)
    "tpu.region"() ({
      %run_scoped3A = tpu.sem_alloc : memref<!tpu.dma_semaphore, #tpu.memory_space<semaphore_mem>>
      %dma_start3A_806 = arith.constant 0 : i32
      %dma_start3A_807 = tpu.memref_slice %arg17[%dma_start3A_806] : memref<1024xi32, #tpu.memory_space<vmem_shared>> -> memref<1024xi32, #tpu.memory_space<vmem_shared>>
      tpu.enqueue_indirect_dma source(%arg6 : memref<256xi32, #tpu.memory_space<vmem>>) target(%dma_start3A_807 : memref<1024xi32, #tpu.memory_space<vmem_shared>>) offsets(%arg8 : memref<256xi32, #tpu.memory_space<vmem>>) semaphore(%run_scoped3A : memref<!tpu.dma_semaphore, #tpu.memory_space<semaphore_mem>>) {add = true}
      %dma_wait3A_808 = arith.constant 0 : i32
      %dma_wait3A_809 = tpu.memref_slice %arg17[%dma_wait3A_808] : memref<1024xi32, #tpu.memory_space<vmem_shared>> -> memref<1024xi32, #tpu.memory_space<vmem_shared>>
      tpu.wait_indirect_dma semaphore(%run_scoped3A : memref<!tpu.dma_semaphore, #tpu.memory_space<semaphore_mem>>) src(%arg6 : memref<256xi32, #tpu.memory_space<vmem>>) dst(%dma_wait3A_809 : memref<1024xi32, #tpu.memory_space<vmem_shared>>)
      tpu.yield
    }) : () -> ()
    %barrier3A_55 = arith.constant 0 : index
    tpu.barrier barrier_id(%barrier3A_55)
    "tpu.region"() ({
      %run_scoped3A = tpu.sem_alloc : memref<!tpu.dma_semaphore, #tpu.memory_space<semaphore_mem>>
      %dma_start3A_806 = arith.constant 0 : i32
      %dma_start3A_807 = tpu.memref_slice %arg17[%dma_start3A_806] : memref<1024xi32, #tpu.memory_space<vmem_shared>> -> memref<256xi32, #tpu.memory_space<vmem_shared>>
      %dma_start3A_808 = arith.constant 0 : i32
      %dma_start3A_809 = tpu.memref_slice %arg17[%dma_start3A_808] : memref<1024xi32, #tpu.memory_space<vmem_shared>> -> memref<256xi32, #tpu.memory_space<vmem_shared>>
      tpu.enqueue_dma source(%dma_start3A_809 : memref<256xi32, #tpu.memory_space<vmem_shared>>) target(%arg7 : memref<256xi32, #tpu.memory_space<vmem>>) target_semaphore(%run_scoped3A : memref<!tpu.dma_semaphore, #tpu.memory_space<semaphore_mem>>)
      %dma_wait3A_810 = arith.constant 0 : i32
      %dma_wait3A_811 = tpu.memref_slice %arg17[%dma_wait3A_810] : memref<1024xi32, #tpu.memory_space<vmem_shared>> -> memref<256xi32, #tpu.memory_space<vmem_shared>>
      %dma_wait3A_812 = arith.constant 0 : i32
      %dma_wait3A_813 = tpu.memref_slice %arg17[%dma_wait3A_812] : memref<1024xi32, #tpu.memory_space<vmem_shared>> -> memref<256xi32, #tpu.memory_space<vmem_shared>>
      tpu.wait_dma2 semaphore(%run_scoped3A : memref<!tpu.dma_semaphore, #tpu.memory_space<semaphore_mem>>) src(%dma_wait3A_813 : memref<256xi32, #tpu.memory_space<vmem_shared>>) dst(%arg7 : memref<256xi32, #tpu.memory_space<vmem>>)
      tpu.yield
    }) : () -> ()
    %mul3A_56 = arith.constant 16 : i32
    %mul3A_57 = vector.broadcast %mul3A_56 : i32 to vector<16xi32>
    %mul3A_58 = arith.muli %iota3A, %mul3A_57 : vector<16xi32>
    %gather3A = tpu.vector_load_idx %arg7[%mul3A_58] : memref<256xi32, #tpu.memory_space<vmem>>[vector<16xi32>], vector<16xi32>,
    %add3A_59 = arith.constant 1 : i32
    %add3A_60 = vector.broadcast %add3A_59 : i32 to vector<16xi32>
    %add3A_61 = arith.addi %mul3A_58, %add3A_60 : vector<16xi32>
    %gather3A_62 = tpu.vector_load_idx %arg7[%add3A_61] : memref<256xi32, #tpu.memory_space<vmem>>[vector<16xi32>], vector<16xi32>,
    %add3A_63 = arith.addi %gather3A, %gather3A_62 : vector<16xi32>
    %add3A_64 = arith.constant 2 : i32
    %add3A_65 = vector.broadcast %add3A_64 : i32 to vector<16xi32>
    %add3A_66 = arith.addi %mul3A_58, %add3A_65 : vector<16xi32>
    %gather3A_67 = tpu.vector_load_idx %arg7[%add3A_66] : memref<256xi32, #tpu.memory_space<vmem>>[vector<16xi32>], vector<16xi32>,
    %add3A_68 = arith.addi %add3A_63, %gather3A_67 : vector<16xi32>
    %add3A_69 = arith.constant 3 : i32
    %add3A_70 = vector.broadcast %add3A_69 : i32 to vector<16xi32>
    %add3A_71 = arith.addi %mul3A_58, %add3A_70 : vector<16xi32>
    %gather3A_72 = tpu.vector_load_idx %arg7[%add3A_71] : memref<256xi32, #tpu.memory_space<vmem>>[vector<16xi32>], vector<16xi32>,
    %add3A_73 = arith.addi %add3A_68, %gather3A_72 : vector<16xi32>
    %add3A_74 = arith.constant 4 : i32
    %add3A_75 = vector.broadcast %add3A_74 : i32 to vector<16xi32>
    %add3A_76 = arith.addi %mul3A_58, %add3A_75 : vector<16xi32>
    %gather3A_77 = tpu.vector_load_idx %arg7[%add3A_76] : memref<256xi32, #tpu.memory_space<vmem>>[vector<16xi32>], vector<16xi32>,
    %add3A_78 = arith.addi %add3A_73, %gather3A_77 : vector<16xi32>
    %add3A_79 = arith.constant 5 : i32
    %add3A_80 = vector.broadcast %add3A_79 : i32 to vector<16xi32>
    %add3A_81 = arith.addi %mul3A_58, %add3A_80 : vector<16xi32>
    %gather3A_82 = tpu.vector_load_idx %arg7[%add3A_81] : memref<256xi32, #tpu.memory_space<vmem>>[vector<16xi32>], vector<16xi32>,
    %add3A_83 = arith.addi %add3A_78, %gather3A_82 : vector<16xi32>
    %add3A_84 = arith.constant 6 : i32
    %add3A_85 = vector.broadcast %add3A_84 : i32 to vector<16xi32>
    %add3A_86 = arith.addi %mul3A_58, %add3A_85 : vector<16xi32>
    %gather3A_87 = tpu.vector_load_idx %arg7[%add3A_86] : memref<256xi32, #tpu.memory_space<vmem>>[vector<16xi32>], vector<16xi32>,
    %add3A_88 = arith.addi %add3A_83, %gather3A_87 : vector<16xi32>
    %add3A_89 = arith.constant 7 : i32
    %add3A_90 = vector.broadcast %add3A_89 : i32 to vector<16xi32>
    %add3A_91 = arith.addi %mul3A_58, %add3A_90 : vector<16xi32>
    %gather3A_92 = tpu.vector_load_idx %arg7[%add3A_91] : memref<256xi32, #tpu.memory_space<vmem>>[vector<16xi32>], vector<16xi32>,
    %add3A_93 = arith.addi %add3A_88, %gather3A_92 : vector<16xi32>
    %add3A_94 = arith.constant 8 : i32
    %add3A_95 = vector.broadcast %add3A_94 : i32 to vector<16xi32>
    %add3A_96 = arith.addi %mul3A_58, %add3A_95 : vector<16xi32>
    %gather3A_97 = tpu.vector_load_idx %arg7[%add3A_96] : memref<256xi32, #tpu.memory_space<vmem>>[vector<16xi32>], vector<16xi32>,
    %add3A_98 = arith.addi %add3A_93, %gather3A_97 : vector<16xi32>
    %add3A_99 = arith.constant 9 : i32
    %add3A_100 = vector.broadcast %add3A_99 : i32 to vector<16xi32>
    %add3A_101 = arith.addi %mul3A_58, %add3A_100 : vector<16xi32>
    %gather3A_102 = tpu.vector_load_idx %arg7[%add3A_101] : memref<256xi32, #tpu.memory_space<vmem>>[vector<16xi32>], vector<16xi32>,
    %add3A_103 = arith.addi %add3A_98, %gather3A_102 : vector<16xi32>
    %add3A_104 = arith.constant 10 : i32
    %add3A_105 = vector.broadcast %add3A_104 : i32 to vector<16xi32>
    %add3A_106 = arith.addi %mul3A_58, %add3A_105 : vector<16xi32>
    %gather3A_107 = tpu.vector_load_idx %arg7[%add3A_106] : memref<256xi32, #tpu.memory_space<vmem>>[vector<16xi32>], vector<16xi32>,
    %add3A_108 = arith.addi %add3A_103, %gather3A_107 : vector<16xi32>
    %add3A_109 = arith.constant 11 : i32
    %add3A_110 = vector.broadcast %add3A_109 : i32 to vector<16xi32>
    %add3A_111 = arith.addi %mul3A_58, %add3A_110 : vector<16xi32>
    %gather3A_112 = tpu.vector_load_idx %arg7[%add3A_111] : memref<256xi32, #tpu.memory_space<vmem>>[vector<16xi32>], vector<16xi32>,
    %add3A_113 = arith.addi %add3A_108, %gather3A_112 : vector<16xi32>
    %add3A_114 = arith.constant 12 : i32
    %add3A_115 = vector.broadcast %add3A_114 : i32 to vector<16xi32>
    %add3A_116 = arith.addi %mul3A_58, %add3A_115 : vector<16xi32>
    %gather3A_117 = tpu.vector_load_idx %arg7[%add3A_116] : memref<256xi32, #tpu.memory_space<vmem>>[vector<16xi32>], vector<16xi32>,
    %add3A_118 = arith.addi %add3A_113, %gather3A_117 : vector<16xi32>
    %add3A_119 = arith.constant 13 : i32
    %add3A_120 = vector.broadcast %add3A_119 : i32 to vector<16xi32>
    %add3A_121 = arith.addi %mul3A_58, %add3A_120 : vector<16xi32>
    %gather3A_122 = tpu.vector_load_idx %arg7[%add3A_121] : memref<256xi32, #tpu.memory_space<vmem>>[vector<16xi32>], vector<16xi32>,
    %add3A_123 = arith.addi %add3A_118, %gather3A_122 : vector<16xi32>
    %add3A_124 = arith.constant 14 : i32
    %add3A_125 = vector.broadcast %add3A_124 : i32 to vector<16xi32>
    %add3A_126 = arith.addi %mul3A_58, %add3A_125 : vector<16xi32>
    %gather3A_127 = tpu.vector_load_idx %arg7[%add3A_126] : memref<256xi32, #tpu.memory_space<vmem>>[vector<16xi32>], vector<16xi32>,
    %add3A_128 = arith.addi %add3A_123, %gather3A_127 : vector<16xi32>
    %add3A_129 = arith.constant 15 : i32
    %add3A_130 = vector.broadcast %add3A_129 : i32 to vector<16xi32>
    %add3A_131 = arith.addi %mul3A_58, %add3A_130 : vector<16xi32>
    %gather3A_132 = tpu.vector_load_idx %arg7[%add3A_131] : memref<256xi32, #tpu.memory_space<vmem>>[vector<16xi32>], vector<16xi32>,
    %add3A_133 = arith.addi %add3A_128, %gather3A_132 : vector<16xi32>
    %rev3A = arith.constant 15 : i32
    %rev3A_134 = vector.broadcast %rev3A : i32 to vector<16xi32>
    %rev3A_135 = tpu.iota {dimensions = array<i32: 0>} : vector<16xi32>
    %rev3A_136 = arith.subi %rev3A_134, %rev3A_135 : vector<16xi32>
    %rev3A_137 = tpu.dynamic_gather %add3A_133[%rev3A_136] in [0] : vector<16xi32>, vector<16xi32> -> vector<16xi32>
    %broadcast_in_dim3A_138 = arith.constant true
    %broadcast_in_dim3A_139 = vector.broadcast %broadcast_in_dim3A_138 : i1 to vector<16xi1>
    %masked_cumsum3A = tpu.scan <sum>, %rev3A_137 masked %broadcast_in_dim3A_139 : vector<16xi32>, vector<16xi1> -> vector<16xi32>
    %rev3A_140 = arith.constant 15 : i32
    %rev3A_141 = vector.broadcast %rev3A_140 : i32 to vector<16xi32>
    %rev3A_142 = tpu.iota {dimensions = array<i32: 0>} : vector<16xi32>
    %rev3A_143 = arith.subi %rev3A_141, %rev3A_142 : vector<16xi32>
    %rev3A_144 = tpu.dynamic_gather %masked_cumsum3A[%rev3A_143] in [0] : vector<16xi32>, vector<16xi32> -> vector<16xi32>
    %ge3A = arith.constant 8192 : i32
    %ge3A_145 = vector.broadcast %ge3A : i32 to vector<16xi32>
    %ge3A_146 = arith.cmpi sge, %rev3A_144, %ge3A_145 : vector<16xi32>
    %jit3A = arith.constant 1 : i32
    %jit3A_147 = arith.constant 0 : i32
    %broadcast_in_dim3A_148 = vector.broadcast %jit3A : i32 to vector<16xi32>
    %broadcast_in_dim3A_149 = vector.broadcast %jit3A_147 : i32 to vector<16xi32>
    %select_n3A = arith.select %ge3A_146, %broadcast_in_dim3A_148, %broadcast_in_dim3A_149 : vector<16xi1>, vector<16xi32>
    %reduce_sum3A = arith.constant true
    %reduce_sum3A_150 = vector.broadcast %reduce_sum3A : i1 to vector<16xi1>
    %reduce_sum3A_151 = tpu.scan <sum>, %select_n3A masked %reduce_sum3A_150 : vector<16xi32>, vector<16xi1> -> vector<16xi32>
    %reduce_sum3A_152 = vector.extract %reduce_sum3A_151[15] : i32 from vector<16xi32>
    %sub3A = arith.constant 1 : i32
    %sub3A_153 = arith.subi %reduce_sum3A_152, %sub3A : i32
    %jit3A_154 = arith.constant 2147483647 : i32
    %broadcast_in_dim3A_155 = vector.broadcast %jit3A_154 : i32 to vector<16xi32>
    %select_n3A_156 = arith.select %ge3A_146, %rev3A_144, %broadcast_in_dim3A_155 : vector<16xi1>, vector<16xi32>
    %reduce_min3A = arith.constant true
    %reduce_min3A_157 = vector.broadcast %reduce_min3A : i1 to vector<16xi1>
    %reduce_min3A_158 = arith.constant -2147483648 : i32
    %reduce_min3A_159 = vector.broadcast %reduce_min3A_158 : i32 to vector<16xi32>
    %reduce_min3A_160 = arith.xori %select_n3A_156, %reduce_min3A_159 : vector<16xi32>
    %reduce_min3A_161 = tpu.scan <min>, %reduce_min3A_160 masked %reduce_min3A_157 : vector<16xi32>, vector<16xi1> -> vector<16xi32>
    %reduce_min3A_162 = arith.xori %reduce_min3A_161, %reduce_min3A_159 : vector<16xi32>
    %reduce_min3A_163 = vector.extract %reduce_min3A_162[15] : i32 from vector<16xi32>
    %mul3A_164 = arith.constant 16 : i32
    %mul3A_165 = arith.muli %sub3A_153, %mul3A_164 : i32
    %get3A = arith.index_cast %mul3A_165 : i32 to index
    %get3A_166 = tpu.vector_load %arg7[%get3A] {strides = array<i32>} : memref<256xi32, #tpu.memory_space<vmem>>, vector<16xi32>,
    %reduce_sum3A_167 = arith.constant true
    %reduce_sum3A_168 = vector.broadcast %reduce_sum3A_167 : i1 to vector<16xi1>
    %reduce_sum3A_169 = tpu.scan <sum>, %get3A_166 masked %reduce_sum3A_168 : vector<16xi32>, vector<16xi1> -> vector<16xi32>
    %reduce_sum3A_170 = vector.extract %reduce_sum3A_169[15] : i32 from vector<16xi32>
    %rev3A_171 = arith.constant 15 : i32
    %rev3A_172 = vector.broadcast %rev3A_171 : i32 to vector<16xi32>
    %rev3A_173 = tpu.iota {dimensions = array<i32: 0>} : vector<16xi32>
    %rev3A_174 = arith.subi %rev3A_172, %rev3A_173 : vector<16xi32>
    %rev3A_175 = tpu.dynamic_gather %get3A_166[%rev3A_174] in [0] : vector<16xi32>, vector<16xi32> -> vector<16xi32>
    %broadcast_in_dim3A_176 = arith.constant true
    %broadcast_in_dim3A_177 = vector.broadcast %broadcast_in_dim3A_176 : i1 to vector<16xi1>
    %masked_cumsum3A_178 = tpu.scan <sum>, %rev3A_175 masked %broadcast_in_dim3A_177 : vector<16xi32>, vector<16xi1> -> vector<16xi32>
    %rev3A_179 = arith.constant 15 : i32
    %rev3A_180 = vector.broadcast %rev3A_179 : i32 to vector<16xi32>
    %rev3A_181 = tpu.iota {dimensions = array<i32: 0>} : vector<16xi32>
    %rev3A_182 = arith.subi %rev3A_180, %rev3A_181 : vector<16xi32>
    %rev3A_183 = tpu.dynamic_gather %masked_cumsum3A_178[%rev3A_182] in [0] : vector<16xi32>, vector<16xi32> -> vector<16xi32>
    %sub3A_184 = arith.subi %reduce_min3A_163, %reduce_sum3A_170 : i32
    %add3A_185 = vector.broadcast %sub3A_184 : i32 to vector<16xi32>
    %add3A_186 = arith.addi %rev3A_183, %add3A_185 : vector<16xi32>
    %ge3A_187 = arith.constant 8192 : i32
    %ge3A_188 = vector.broadcast %ge3A_187 : i32 to vector<16xi32>
    %ge3A_189 = arith.cmpi sge, %add3A_186, %ge3A_188 : vector<16xi32>
    %jit3A_190 = arith.constant 1 : i32
    %jit3A_191 = arith.constant 0 : i32
    %broadcast_in_dim3A_192 = vector.broadcast %jit3A_190 : i32 to vector<16xi32>
    %broadcast_in_dim3A_193 = vector.broadcast %jit3A_191 : i32 to vector<16xi32>
    %select_n3A_194 = arith.select %ge3A_189, %broadcast_in_dim3A_192, %broadcast_in_dim3A_193 : vector<16xi1>, vector<16xi32>
    %reduce_sum3A_195 = arith.constant true
    %reduce_sum3A_196 = vector.broadcast %reduce_sum3A_195 : i1 to vector<16xi1>
    %reduce_sum3A_197 = tpu.scan <sum>, %select_n3A_194 masked %reduce_sum3A_196 : vector<16xi32>, vector<16xi1> -> vector<16xi32>
    %reduce_sum3A_198 = vector.extract %reduce_sum3A_197[15] : i32 from vector<16xi32>
    %jit3A_199 = arith.constant 0 : i32
    %broadcast_in_dim3A_200 = vector.broadcast %jit3A_199 : i32 to vector<16xi32>
    %select_n3A_201 = arith.select %ge3A_189, %get3A_166, %broadcast_in_dim3A_200 : vector<16xi1>, vector<16xi32>
    %reduce_sum3A_202 = arith.constant true
    %reduce_sum3A_203 = vector.broadcast %reduce_sum3A_202 : i1 to vector<16xi1>
    %reduce_sum3A_204 = tpu.scan <sum>, %select_n3A_201 masked %reduce_sum3A_203 : vector<16xi32>, vector<16xi1> -> vector<16xi32>
    %reduce_sum3A_205 = vector.extract %reduce_sum3A_204[15] : i32 from vector<16xi32>
    %mul3A_206 = arith.constant 16 : i32
    %mul3A_207 = arith.muli %sub3A_153, %mul3A_206 : i32
    %add3A_208 = arith.addi %mul3A_207, %reduce_sum3A_198 : i32
    %sub3A_209 = arith.constant 1 : i32
    %sub3A_210 = arith.subi %add3A_208, %sub3A_209 : i32
    %sub3A_211 = arith.constant 8192 : i32
    %sub3A_212 = arith.subi %sub3A_211, %reduce_min3A_163 : i32
    %add3A_213 = arith.addi %sub3A_212, %reduce_sum3A_205 : i32
    %shift_left3A = arith.constant 0 : i32
    %shift_left3A_214 = arith.constant 8 : i32
    %shift_left3A_215 = arith.shli %shift_left3A, %shift_left3A_214 : i32
    %or3A = arith.ori %shift_left3A_215, %sub3A_210 : i32
    %scan3A_216 = arith.constant 0 : i32
    %scan3A_217 = arith.constant 0 : i32
    %scan3A_218 = arith.constant 16 : i32
    %scan3A_219 = arith.addi %scan3A_217, %scan3A_218 : i32
    %scan3A_220 = arith.constant 1 : i32
    scf.for %scan3A_806 = %scan3A_217 to %scan3A_219 step %scan3A_220  : i32 {
      %broadcast_in_dim3A_807 = arith.constant 0 : i32
      %broadcast_in_dim3A_808 = vector.broadcast %broadcast_in_dim3A_807 : i32 to vector<16xi32>
      %mul3A_809 = arith.constant 16 : i32
      %mul3A_810 = arith.muli %scan3A_806, %mul3A_809 : i32
      %swap3A_811 = arith.index_cast %mul3A_810 : i32 to index
      %swap3A_812 = tpu.vector_load %arg6[%swap3A_811] {strides = array<i32>} : memref<256xi32, #tpu.memory_space<vmem>>, vector<16xi32>,
      tpu.vector_store %arg6[%swap3A_811], %broadcast_in_dim3A_808 {strides = array<i32>} : memref<256xi32, #tpu.memory_space<vmem>>, vector<16xi32>,
    }
    %scan3A_221 = arith.constant 16 : i32
    %broadcast_in_dim3A_222 = vector.broadcast %or3A : i32 to vector<16xi32>
    %scan3A_223 = arith.constant 0 : i32
    %scan3A_224 = arith.constant 0 : i32
    %scan3A_225 = arith.constant 64 : i32
    %scan3A_226 = arith.addi %scan3A_224, %scan3A_225 : i32
    %scan3A_227 = arith.constant 1 : i32
    scf.for %scan3A_806 = %scan3A_224 to %scan3A_226 step %scan3A_227  : i32 {
      %broadcast_in_dim3A_807 = arith.constant 0 : i32
      %broadcast_in_dim3A_808 = vector.broadcast %broadcast_in_dim3A_807 : i32 to vector<16xi32>
      %mul3A_809 = arith.constant 32 : i32
      %mul3A_810 = arith.muli %scan3A_806, %mul3A_809 : i32
      %add3A_811 = arith.constant 0 : i32
      %add3A_812 = arith.addi %mul3A_810, %add3A_811 : i32
      %get3A_813 = arith.index_cast %add3A_812 : i32 to index
      %get3A_814 = tpu.vector_load %arg5[%get3A_813] {strides = array<i32>} : memref<2048xi32, #tpu.memory_space<vmem>>, vector<16xi32>,
      %broadcast_in_dim3A_815 = arith.constant 24 : i32
      %broadcast_in_dim3A_816 = vector.broadcast %broadcast_in_dim3A_815 : i32 to vector<16xi32>
      %shift_right_logical3A = arith.shrui %get3A_814, %broadcast_in_dim3A_816 : vector<16xi32>
      %eq3A_817 = arith.cmpi eq, %shift_right_logical3A, %broadcast_in_dim3A_222 : vector<16xi32>
      %convert_element_type3A_818 = arith.extui %eq3A_817 : vector<16xi1> to vector<16xi32>
      %or3A_819 = arith.ori %broadcast_in_dim3A_808, %convert_element_type3A_818 : vector<16xi32>
      %broadcast_in_dim3A_820 = arith.constant 16 : i32
      %broadcast_in_dim3A_821 = vector.broadcast %broadcast_in_dim3A_820 : i32 to vector<16xi32>
      %shift_right_logical3A_822 = arith.shrui %get3A_814, %broadcast_in_dim3A_821 : vector<16xi32>
      %and3A_823 = arith.constant 255 : i32
      %and3A_824 = vector.broadcast %and3A_823 : i32 to vector<16xi32>
      %and3A_825 = arith.andi %shift_right_logical3A_822, %and3A_824 : vector<16xi32>
      tpu.vector_store_idx %arg6[%and3A_825], %broadcast_in_dim3A_13 masked %eq3A_817 {add = true} : memref<256xi32, #tpu.memory_space<vmem>>[vector<16xi32>], vector<16xi32>, vector<16xi1>
      %mul3A_826 = arith.constant 32 : i32
      %mul3A_827 = arith.muli %scan3A_806, %mul3A_826 : i32
      %add3A_828 = arith.constant 16 : i32
      %add3A_829 = arith.addi %mul3A_827, %add3A_828 : i32
      %get3A_830 = arith.index_cast %add3A_829 : i32 to index
      %get3A_831 = tpu.vector_load %arg5[%get3A_830] {strides = array<i32>} : memref<2048xi32, #tpu.memory_space<vmem>>, vector<16xi32>,
      %broadcast_in_dim3A_832 = arith.constant 24 : i32
      %broadcast_in_dim3A_833 = vector.broadcast %broadcast_in_dim3A_832 : i32 to vector<16xi32>
      %shift_right_logical3A_834 = arith.shrui %get3A_831, %broadcast_in_dim3A_833 : vector<16xi32>
      %eq3A_835 = arith.cmpi eq, %shift_right_logical3A_834, %broadcast_in_dim3A_222 : vector<16xi32>
      %convert_element_type3A_836 = arith.extui %eq3A_835 : vector<16xi1> to vector<16xi32>
      %or3A_837 = arith.ori %or3A_819, %convert_element_type3A_836 : vector<16xi32>
      %broadcast_in_dim3A_838 = arith.constant 16 : i32
      %broadcast_in_dim3A_839 = vector.broadcast %broadcast_in_dim3A_838 : i32 to vector<16xi32>
      %shift_right_logical3A_840 = arith.shrui %get3A_831, %broadcast_in_dim3A_839 : vector<16xi32>
      %and3A_841 = arith.constant 255 : i32
      %and3A_842 = vector.broadcast %and3A_841 : i32 to vector<16xi32>
      %and3A_843 = arith.andi %shift_right_logical3A_840, %and3A_842 : vector<16xi32>
      tpu.vector_store_idx %arg6[%and3A_843], %broadcast_in_dim3A_13 masked %eq3A_835 {add = true} : memref<256xi32, #tpu.memory_space<vmem>>[vector<16xi32>], vector<16xi32>, vector<16xi1>
      %reduce_max3A = arith.constant true
      %reduce_max3A_844 = vector.broadcast %reduce_max3A : i1 to vector<16xi1>
      %reduce_max3A_845 = arith.constant -2147483648 : i32
      %reduce_max3A_846 = vector.broadcast %reduce_max3A_845 : i32 to vector<16xi32>
      %reduce_max3A_847 = arith.xori %or3A_837, %reduce_max3A_846 : vector<16xi32>
      %reduce_max3A_848 = tpu.scan <max>, %reduce_max3A_847 masked %reduce_max3A_844 : vector<16xi32>, vector<16xi1> -> vector<16xi32>
      %reduce_max3A_849 = arith.xori %reduce_max3A_848, %reduce_max3A_846 : vector<16xi32>
      %reduce_max3A_850 = vector.extract %reduce_max3A_849[15] : i32 from vector<16xi32>
      %swap3A_851 = arith.index_cast %scan3A_806 : i32 to index
      %swap3A_852 = memref.load %arg16[%swap3A_851] : memref<64xi32, #tpu.memory_space<smem>>
      memref.store %reduce_max3A_850, %arg16[%swap3A_851] : memref<64xi32, #tpu.memory_space<smem>>
    }
    %scan3A_228 = arith.constant 64 : i32
    "tpu.region"() ({
      %run_scoped3A = tpu.sem_alloc : memref<!tpu.dma_semaphore, #tpu.memory_space<semaphore_mem>>
      %dma_start3A_806 = arith.constant 0 : i32
      %dma_start3A_807 = tpu.memref_slice %arg17[%dma_start3A_806] : memref<1024xi32, #tpu.memory_space<vmem_shared>> -> memref<1024xi32, #tpu.memory_space<vmem_shared>>
      tpu.enqueue_indirect_dma source(%arg6 : memref<256xi32, #tpu.memory_space<vmem>>) target(%dma_start3A_807 : memref<1024xi32, #tpu.memory_space<vmem_shared>>) offsets(%arg9 : memref<256xi32, #tpu.memory_space<vmem>>) semaphore(%run_scoped3A : memref<!tpu.dma_semaphore, #tpu.memory_space<semaphore_mem>>) {add = true}
      %dma_wait3A_808 = arith.constant 0 : i32
      %dma_wait3A_809 = tpu.memref_slice %arg17[%dma_wait3A_808] : memref<1024xi32, #tpu.memory_space<vmem_shared>> -> memref<1024xi32, #tpu.memory_space<vmem_shared>>
      tpu.wait_indirect_dma semaphore(%run_scoped3A : memref<!tpu.dma_semaphore, #tpu.memory_space<semaphore_mem>>) src(%arg6 : memref<256xi32, #tpu.memory_space<vmem>>) dst(%dma_wait3A_809 : memref<1024xi32, #tpu.memory_space<vmem_shared>>)
      tpu.yield
    }) : () -> ()
    %barrier3A_229 = arith.constant 0 : index
    tpu.barrier barrier_id(%barrier3A_229)
    "tpu.region"() ({
      %run_scoped3A = tpu.sem_alloc : memref<!tpu.dma_semaphore, #tpu.memory_space<semaphore_mem>>
      %dma_start3A_806 = arith.constant 256 : i32
      %dma_start3A_807 = tpu.memref_slice %arg17[%dma_start3A_806] : memref<1024xi32, #tpu.memory_space<vmem_shared>> -> memref<256xi32, #tpu.memory_space<vmem_shared>>
      %dma_start3A_808 = arith.constant 256 : i32
      %dma_start3A_809 = tpu.memref_slice %arg17[%dma_start3A_808] : memref<1024xi32, #tpu.memory_space<vmem_shared>> -> memref<256xi32, #tpu.memory_space<vmem_shared>>
      tpu.enqueue_dma source(%dma_start3A_809 : memref<256xi32, #tpu.memory_space<vmem_shared>>) target(%arg7 : memref<256xi32, #tpu.memory_space<vmem>>) target_semaphore(%run_scoped3A : memref<!tpu.dma_semaphore, #tpu.memory_space<semaphore_mem>>)
      %dma_wait3A_810 = arith.constant 256 : i32
      %dma_wait3A_811 = tpu.memref_slice %arg17[%dma_wait3A_810] : memref<1024xi32, #tpu.memory_space<vmem_shared>> -> memref<256xi32, #tpu.memory_space<vmem_shared>>
      %dma_wait3A_812 = arith.constant 256 : i32
      %dma_wait3A_813 = tpu.memref_slice %arg17[%dma_wait3A_812] : memref<1024xi32, #tpu.memory_space<vmem_shared>> -> memref<256xi32, #tpu.memory_space<vmem_shared>>
      tpu.wait_dma2 semaphore(%run_scoped3A : memref<!tpu.dma_semaphore, #tpu.memory_space<semaphore_mem>>) src(%dma_wait3A_813 : memref<256xi32, #tpu.memory_space<vmem_shared>>) dst(%arg7 : memref<256xi32, #tpu.memory_space<vmem>>)
      tpu.yield
    }) : () -> ()
    %mul3A_230 = arith.constant 16 : i32
    %mul3A_231 = vector.broadcast %mul3A_230 : i32 to vector<16xi32>
    %mul3A_232 = arith.muli %iota3A, %mul3A_231 : vector<16xi32>
    %gather3A_233 = tpu.vector_load_idx %arg7[%mul3A_232] : memref<256xi32, #tpu.memory_space<vmem>>[vector<16xi32>], vector<16xi32>,
    %add3A_234 = arith.constant 1 : i32
    %add3A_235 = vector.broadcast %add3A_234 : i32 to vector<16xi32>
    %add3A_236 = arith.addi %mul3A_232, %add3A_235 : vector<16xi32>
    %gather3A_237 = tpu.vector_load_idx %arg7[%add3A_236] : memref<256xi32, #tpu.memory_space<vmem>>[vector<16xi32>], vector<16xi32>,
    %add3A_238 = arith.addi %gather3A_233, %gather3A_237 : vector<16xi32>
    %add3A_239 = arith.constant 2 : i32
    %add3A_240 = vector.broadcast %add3A_239 : i32 to vector<16xi32>
    %add3A_241 = arith.addi %mul3A_232, %add3A_240 : vector<16xi32>
    %gather3A_242 = tpu.vector_load_idx %arg7[%add3A_241] : memref<256xi32, #tpu.memory_space<vmem>>[vector<16xi32>], vector<16xi32>,
    %add3A_243 = arith.addi %add3A_238, %gather3A_242 : vector<16xi32>
    %add3A_244 = arith.constant 3 : i32
    %add3A_245 = vector.broadcast %add3A_244 : i32 to vector<16xi32>
    %add3A_246 = arith.addi %mul3A_232, %add3A_245 : vector<16xi32>
    %gather3A_247 = tpu.vector_load_idx %arg7[%add3A_246] : memref<256xi32, #tpu.memory_space<vmem>>[vector<16xi32>], vector<16xi32>,
    %add3A_248 = arith.addi %add3A_243, %gather3A_247 : vector<16xi32>
    %add3A_249 = arith.constant 4 : i32
    %add3A_250 = vector.broadcast %add3A_249 : i32 to vector<16xi32>
    %add3A_251 = arith.addi %mul3A_232, %add3A_250 : vector<16xi32>
    %gather3A_252 = tpu.vector_load_idx %arg7[%add3A_251] : memref<256xi32, #tpu.memory_space<vmem>>[vector<16xi32>], vector<16xi32>,
    %add3A_253 = arith.addi %add3A_248, %gather3A_252 : vector<16xi32>
    %add3A_254 = arith.constant 5 : i32
    %add3A_255 = vector.broadcast %add3A_254 : i32 to vector<16xi32>
    %add3A_256 = arith.addi %mul3A_232, %add3A_255 : vector<16xi32>
    %gather3A_257 = tpu.vector_load_idx %arg7[%add3A_256] : memref<256xi32, #tpu.memory_space<vmem>>[vector<16xi32>], vector<16xi32>,
    %add3A_258 = arith.addi %add3A_253, %gather3A_257 : vector<16xi32>
    %add3A_259 = arith.constant 6 : i32
    %add3A_260 = vector.broadcast %add3A_259 : i32 to vector<16xi32>
    %add3A_261 = arith.addi %mul3A_232, %add3A_260 : vector<16xi32>
    %gather3A_262 = tpu.vector_load_idx %arg7[%add3A_261] : memref<256xi32, #tpu.memory_space<vmem>>[vector<16xi32>], vector<16xi32>,
    %add3A_263 = arith.addi %add3A_258, %gather3A_262 : vector<16xi32>
    %add3A_264 = arith.constant 7 : i32
    %add3A_265 = vector.broadcast %add3A_264 : i32 to vector<16xi32>
    %add3A_266 = arith.addi %mul3A_232, %add3A_265 : vector<16xi32>
    %gather3A_267 = tpu.vector_load_idx %arg7[%add3A_266] : memref<256xi32, #tpu.memory_space<vmem>>[vector<16xi32>], vector<16xi32>,
    %add3A_268 = arith.addi %add3A_263, %gather3A_267 : vector<16xi32>
    %add3A_269 = arith.constant 8 : i32
    %add3A_270 = vector.broadcast %add3A_269 : i32 to vector<16xi32>
    %add3A_271 = arith.addi %mul3A_232, %add3A_270 : vector<16xi32>
    %gather3A_272 = tpu.vector_load_idx %arg7[%add3A_271] : memref<256xi32, #tpu.memory_space<vmem>>[vector<16xi32>], vector<16xi32>,
    %add3A_273 = arith.addi %add3A_268, %gather3A_272 : vector<16xi32>
    %add3A_274 = arith.constant 9 : i32
    %add3A_275 = vector.broadcast %add3A_274 : i32 to vector<16xi32>
    %add3A_276 = arith.addi %mul3A_232, %add3A_275 : vector<16xi32>
    %gather3A_277 = tpu.vector_load_idx %arg7[%add3A_276] : memref<256xi32, #tpu.memory_space<vmem>>[vector<16xi32>], vector<16xi32>,
    %add3A_278 = arith.addi %add3A_273, %gather3A_277 : vector<16xi32>
    %add3A_279 = arith.constant 10 : i32
    %add3A_280 = vector.broadcast %add3A_279 : i32 to vector<16xi32>
    %add3A_281 = arith.addi %mul3A_232, %add3A_280 : vector<16xi32>
    %gather3A_282 = tpu.vector_load_idx %arg7[%add3A_281] : memref<256xi32, #tpu.memory_space<vmem>>[vector<16xi32>], vector<16xi32>,
    %add3A_283 = arith.addi %add3A_278, %gather3A_282 : vector<16xi32>
    %add3A_284 = arith.constant 11 : i32
    %add3A_285 = vector.broadcast %add3A_284 : i32 to vector<16xi32>
    %add3A_286 = arith.addi %mul3A_232, %add3A_285 : vector<16xi32>
    %gather3A_287 = tpu.vector_load_idx %arg7[%add3A_286] : memref<256xi32, #tpu.memory_space<vmem>>[vector<16xi32>], vector<16xi32>,
    %add3A_288 = arith.addi %add3A_283, %gather3A_287 : vector<16xi32>
    %add3A_289 = arith.constant 12 : i32
    %add3A_290 = vector.broadcast %add3A_289 : i32 to vector<16xi32>
    %add3A_291 = arith.addi %mul3A_232, %add3A_290 : vector<16xi32>
    %gather3A_292 = tpu.vector_load_idx %arg7[%add3A_291] : memref<256xi32, #tpu.memory_space<vmem>>[vector<16xi32>], vector<16xi32>,
    %add3A_293 = arith.addi %add3A_288, %gather3A_292 : vector<16xi32>
    %add3A_294 = arith.constant 13 : i32
    %add3A_295 = vector.broadcast %add3A_294 : i32 to vector<16xi32>
    %add3A_296 = arith.addi %mul3A_232, %add3A_295 : vector<16xi32>
    %gather3A_297 = tpu.vector_load_idx %arg7[%add3A_296] : memref<256xi32, #tpu.memory_space<vmem>>[vector<16xi32>], vector<16xi32>,
    %add3A_298 = arith.addi %add3A_293, %gather3A_297 : vector<16xi32>
    %add3A_299 = arith.constant 14 : i32
    %add3A_300 = vector.broadcast %add3A_299 : i32 to vector<16xi32>
    %add3A_301 = arith.addi %mul3A_232, %add3A_300 : vector<16xi32>
    %gather3A_302 = tpu.vector_load_idx %arg7[%add3A_301] : memref<256xi32, #tpu.memory_space<vmem>>[vector<16xi32>], vector<16xi32>,
    %add3A_303 = arith.addi %add3A_298, %gather3A_302 : vector<16xi32>
    %add3A_304 = arith.constant 15 : i32
    %add3A_305 = vector.broadcast %add3A_304 : i32 to vector<16xi32>
    %add3A_306 = arith.addi %mul3A_232, %add3A_305 : vector<16xi32>
    %gather3A_307 = tpu.vector_load_idx %arg7[%add3A_306] : memref<256xi32, #tpu.memory_space<vmem>>[vector<16xi32>], vector<16xi32>,
    %add3A_308 = arith.addi %add3A_303, %gather3A_307 : vector<16xi32>
    %rev3A_309 = arith.constant 15 : i32
    %rev3A_310 = vector.broadcast %rev3A_309 : i32 to vector<16xi32>
    %rev3A_311 = tpu.iota {dimensions = array<i32: 0>} : vector<16xi32>
    %rev3A_312 = arith.subi %rev3A_310, %rev3A_311 : vector<16xi32>
    %rev3A_313 = tpu.dynamic_gather %add3A_308[%rev3A_312] in [0] : vector<16xi32>, vector<16xi32> -> vector<16xi32>
    %broadcast_in_dim3A_314 = arith.constant true
    %broadcast_in_dim3A_315 = vector.broadcast %broadcast_in_dim3A_314 : i1 to vector<16xi1>
    %masked_cumsum3A_316 = tpu.scan <sum>, %rev3A_313 masked %broadcast_in_dim3A_315 : vector<16xi32>, vector<16xi1> -> vector<16xi32>
    %rev3A_317 = arith.constant 15 : i32
    %rev3A_318 = vector.broadcast %rev3A_317 : i32 to vector<16xi32>
    %rev3A_319 = tpu.iota {dimensions = array<i32: 0>} : vector<16xi32>
    %rev3A_320 = arith.subi %rev3A_318, %rev3A_319 : vector<16xi32>
    %rev3A_321 = tpu.dynamic_gather %masked_cumsum3A_316[%rev3A_320] in [0] : vector<16xi32>, vector<16xi32> -> vector<16xi32>
    %ge3A_322 = vector.broadcast %add3A_213 : i32 to vector<16xi32>
    %ge3A_323 = arith.cmpi sge, %rev3A_321, %ge3A_322 : vector<16xi32>
    %jit3A_324 = arith.constant 1 : i32
    %jit3A_325 = arith.constant 0 : i32
    %broadcast_in_dim3A_326 = vector.broadcast %jit3A_324 : i32 to vector<16xi32>
    %broadcast_in_dim3A_327 = vector.broadcast %jit3A_325 : i32 to vector<16xi32>
    %select_n3A_328 = arith.select %ge3A_323, %broadcast_in_dim3A_326, %broadcast_in_dim3A_327 : vector<16xi1>, vector<16xi32>
    %reduce_sum3A_329 = arith.constant true
    %reduce_sum3A_330 = vector.broadcast %reduce_sum3A_329 : i1 to vector<16xi1>
    %reduce_sum3A_331 = tpu.scan <sum>, %select_n3A_328 masked %reduce_sum3A_330 : vector<16xi32>, vector<16xi1> -> vector<16xi32>
    %reduce_sum3A_332 = vector.extract %reduce_sum3A_331[15] : i32 from vector<16xi32>
    %sub3A_333 = arith.constant 1 : i32
    %sub3A_334 = arith.subi %reduce_sum3A_332, %sub3A_333 : i32
    %jit3A_335 = arith.constant 2147483647 : i32
    %broadcast_in_dim3A_336 = vector.broadcast %jit3A_335 : i32 to vector<16xi32>
    %select_n3A_337 = arith.select %ge3A_323, %rev3A_321, %broadcast_in_dim3A_336 : vector<16xi1>, vector<16xi32>
    %reduce_min3A_338 = arith.constant true
    %reduce_min3A_339 = vector.broadcast %reduce_min3A_338 : i1 to vector<16xi1>
    %reduce_min3A_340 = arith.constant -2147483648 : i32
    %reduce_min3A_341 = vector.broadcast %reduce_min3A_340 : i32 to vector<16xi32>
    %reduce_min3A_342 = arith.xori %select_n3A_337, %reduce_min3A_341 : vector<16xi32>
    %reduce_min3A_343 = tpu.scan <min>, %reduce_min3A_342 masked %reduce_min3A_339 : vector<16xi32>, vector<16xi1> -> vector<16xi32>
    %reduce_min3A_344 = arith.xori %reduce_min3A_343, %reduce_min3A_341 : vector<16xi32>
    %reduce_min3A_345 = vector.extract %reduce_min3A_344[15] : i32 from vector<16xi32>
    %mul3A_346 = arith.constant 16 : i32
    %mul3A_347 = arith.muli %sub3A_334, %mul3A_346 : i32
    %get3A_348 = arith.index_cast %mul3A_347 : i32 to index
    %get3A_349 = tpu.vector_load %arg7[%get3A_348] {strides = array<i32>} : memref<256xi32, #tpu.memory_space<vmem>>, vector<16xi32>,
    %reduce_sum3A_350 = arith.constant true
    %reduce_sum3A_351 = vector.broadcast %reduce_sum3A_350 : i1 to vector<16xi1>
    %reduce_sum3A_352 = tpu.scan <sum>, %get3A_349 masked %reduce_sum3A_351 : vector<16xi32>, vector<16xi1> -> vector<16xi32>
    %reduce_sum3A_353 = vector.extract %reduce_sum3A_352[15] : i32 from vector<16xi32>
    %rev3A_354 = arith.constant 15 : i32
    %rev3A_355 = vector.broadcast %rev3A_354 : i32 to vector<16xi32>
    %rev3A_356 = tpu.iota {dimensions = array<i32: 0>} : vector<16xi32>
    %rev3A_357 = arith.subi %rev3A_355, %rev3A_356 : vector<16xi32>
    %rev3A_358 = tpu.dynamic_gather %get3A_349[%rev3A_357] in [0] : vector<16xi32>, vector<16xi32> -> vector<16xi32>
    %broadcast_in_dim3A_359 = arith.constant true
    %broadcast_in_dim3A_360 = vector.broadcast %broadcast_in_dim3A_359 : i1 to vector<16xi1>
    %masked_cumsum3A_361 = tpu.scan <sum>, %rev3A_358 masked %broadcast_in_dim3A_360 : vector<16xi32>, vector<16xi1> -> vector<16xi32>
    %rev3A_362 = arith.constant 15 : i32
    %rev3A_363 = vector.broadcast %rev3A_362 : i32 to vector<16xi32>
    %rev3A_364 = tpu.iota {dimensions = array<i32: 0>} : vector<16xi32>
    %rev3A_365 = arith.subi %rev3A_363, %rev3A_364 : vector<16xi32>
    %rev3A_366 = tpu.dynamic_gather %masked_cumsum3A_361[%rev3A_365] in [0] : vector<16xi32>, vector<16xi32> -> vector<16xi32>
    %sub3A_367 = arith.subi %reduce_min3A_345, %reduce_sum3A_353 : i32
    %add3A_368 = vector.broadcast %sub3A_367 : i32 to vector<16xi32>
    %add3A_369 = arith.addi %rev3A_366, %add3A_368 : vector<16xi32>
    %ge3A_370 = vector.broadcast %add3A_213 : i32 to vector<16xi32>
    %ge3A_371 = arith.cmpi sge, %add3A_369, %ge3A_370 : vector<16xi32>
    %jit3A_372 = arith.constant 1 : i32
    %jit3A_373 = arith.constant 0 : i32
    %broadcast_in_dim3A_374 = vector.broadcast %jit3A_372 : i32 to vector<16xi32>
    %broadcast_in_dim3A_375 = vector.broadcast %jit3A_373 : i32 to vector<16xi32>
    %select_n3A_376 = arith.select %ge3A_371, %broadcast_in_dim3A_374, %broadcast_in_dim3A_375 : vector<16xi1>, vector<16xi32>
    %reduce_sum3A_377 = arith.constant true
    %reduce_sum3A_378 = vector.broadcast %reduce_sum3A_377 : i1 to vector<16xi1>
    %reduce_sum3A_379 = tpu.scan <sum>, %select_n3A_376 masked %reduce_sum3A_378 : vector<16xi32>, vector<16xi1> -> vector<16xi32>
    %reduce_sum3A_380 = vector.extract %reduce_sum3A_379[15] : i32 from vector<16xi32>
    %jit3A_381 = arith.constant 0 : i32
    %broadcast_in_dim3A_382 = vector.broadcast %jit3A_381 : i32 to vector<16xi32>
    %select_n3A_383 = arith.select %ge3A_371, %get3A_349, %broadcast_in_dim3A_382 : vector<16xi1>, vector<16xi32>
    %reduce_sum3A_384 = arith.constant true
    %reduce_sum3A_385 = vector.broadcast %reduce_sum3A_384 : i1 to vector<16xi1>
    %reduce_sum3A_386 = tpu.scan <sum>, %select_n3A_383 masked %reduce_sum3A_385 : vector<16xi32>, vector<16xi1> -> vector<16xi32>
    %reduce_sum3A_387 = vector.extract %reduce_sum3A_386[15] : i32 from vector<16xi32>
    %mul3A_388 = arith.constant 16 : i32
    %mul3A_389 = arith.muli %sub3A_334, %mul3A_388 : i32
    %add3A_390 = arith.addi %mul3A_389, %reduce_sum3A_380 : i32
    %sub3A_391 = arith.constant 1 : i32
    %sub3A_392 = arith.subi %add3A_390, %sub3A_391 : i32
    %sub3A_393 = arith.subi %add3A_213, %reduce_min3A_345 : i32
    %add3A_394 = arith.addi %sub3A_393, %reduce_sum3A_387 : i32
    %shift_left3A_395 = arith.constant 8 : i32
    %shift_left3A_396 = arith.shli %or3A, %shift_left3A_395 : i32
    %or3A_397 = arith.ori %shift_left3A_396, %sub3A_392 : i32
    %scan3A_398 = arith.constant 0 : i32
    %scan3A_399 = arith.constant 0 : i32
    %scan3A_400 = arith.constant 16 : i32
    %scan3A_401 = arith.addi %scan3A_399, %scan3A_400 : i32
    %scan3A_402 = arith.constant 1 : i32
    scf.for %scan3A_806 = %scan3A_399 to %scan3A_401 step %scan3A_402  : i32 {
      %broadcast_in_dim3A_807 = arith.constant 0 : i32
      %broadcast_in_dim3A_808 = vector.broadcast %broadcast_in_dim3A_807 : i32 to vector<16xi32>
      %mul3A_809 = arith.constant 16 : i32
      %mul3A_810 = arith.muli %scan3A_806, %mul3A_809 : i32
      %swap3A_811 = arith.index_cast %mul3A_810 : i32 to index
      %swap3A_812 = tpu.vector_load %arg6[%swap3A_811] {strides = array<i32>} : memref<256xi32, #tpu.memory_space<vmem>>, vector<16xi32>,
      tpu.vector_store %arg6[%swap3A_811], %broadcast_in_dim3A_808 {strides = array<i32>} : memref<256xi32, #tpu.memory_space<vmem>>, vector<16xi32>,
    }
    %scan3A_403 = arith.constant 16 : i32
    %broadcast_in_dim3A_404 = vector.broadcast %or3A_397 : i32 to vector<16xi32>
    %scan3A_405 = arith.constant 0 : i32
    %scan3A_406 = arith.constant 0 : i32
    %scan3A_407 = arith.constant 64 : i32
    %scan3A_408 = arith.addi %scan3A_406, %scan3A_407 : i32
    %scan3A_409 = arith.constant 1 : i32
    scf.for %scan3A_806 = %scan3A_406 to %scan3A_408 step %scan3A_409  : i32 {
      %get3A_807 = arith.index_cast %scan3A_806 : i32 to index
      %get3A_808 = memref.load %arg16[%get3A_807] : memref<64xi32, #tpu.memory_space<smem>>
      %swap3A_809 = arith.constant 0 : i32
      %swap3A_810 = arith.index_cast %scan3A_806 : i32 to index
      %swap3A_811 = memref.load %arg16[%swap3A_810] : memref<64xi32, #tpu.memory_space<smem>>
      memref.store %swap3A_809, %arg16[%swap3A_810] : memref<64xi32, #tpu.memory_space<smem>>
      %ne3A = arith.constant 0 : i32
      %ne3A_812 = arith.cmpi ne, %get3A_808, %ne3A : i32
      %convert_element_type3A_813 = arith.extui %ne3A_812 : i1 to i32
      %cond3A_814 = arith.constant 0 : i32
      %cond3A_815 = arith.cmpi ne, %convert_element_type3A_813, %cond3A_814 : i32
      scf.if %cond3A_815 {
        %broadcast_in_dim3A_816 = arith.constant 0 : i32
        %broadcast_in_dim3A_817 = vector.broadcast %broadcast_in_dim3A_816 : i32 to vector<16xi32>
        %mul3A_818 = arith.constant 32 : i32
        %mul3A_819 = arith.muli %scan3A_806, %mul3A_818 : i32
        %add3A_820 = arith.constant 0 : i32
        %add3A_821 = arith.addi %mul3A_819, %add3A_820 : i32
        %get3A_822 = arith.index_cast %add3A_821 : i32 to index
        %get3A_823 = tpu.vector_load %arg5[%get3A_822] {strides = array<i32>} : memref<2048xi32, #tpu.memory_space<vmem>>, vector<16xi32>,
        %broadcast_in_dim3A_824 = arith.constant 16 : i32
        %broadcast_in_dim3A_825 = vector.broadcast %broadcast_in_dim3A_824 : i32 to vector<16xi32>
        %shift_right_logical3A = arith.shrui %get3A_823, %broadcast_in_dim3A_825 : vector<16xi32>
        %eq3A_826 = arith.cmpi eq, %shift_right_logical3A, %broadcast_in_dim3A_404 : vector<16xi32>
        %convert_element_type3A_827 = arith.extui %eq3A_826 : vector<16xi1> to vector<16xi32>
        %or3A_828 = arith.ori %broadcast_in_dim3A_817, %convert_element_type3A_827 : vector<16xi32>
        %broadcast_in_dim3A_829 = arith.constant 8 : i32
        %broadcast_in_dim3A_830 = vector.broadcast %broadcast_in_dim3A_829 : i32 to vector<16xi32>
        %shift_right_logical3A_831 = arith.shrui %get3A_823, %broadcast_in_dim3A_830 : vector<16xi32>
        %and3A_832 = arith.constant 255 : i32
        %and3A_833 = vector.broadcast %and3A_832 : i32 to vector<16xi32>
        %and3A_834 = arith.andi %shift_right_logical3A_831, %and3A_833 : vector<16xi32>
        tpu.vector_store_idx %arg6[%and3A_834], %broadcast_in_dim3A_13 masked %eq3A_826 {add = true} : memref<256xi32, #tpu.memory_space<vmem>>[vector<16xi32>], vector<16xi32>, vector<16xi1>
        %mul3A_835 = arith.constant 32 : i32
        %mul3A_836 = arith.muli %scan3A_806, %mul3A_835 : i32
        %add3A_837 = arith.constant 16 : i32
        %add3A_838 = arith.addi %mul3A_836, %add3A_837 : i32
        %get3A_839 = arith.index_cast %add3A_838 : i32 to index
        %get3A_840 = tpu.vector_load %arg5[%get3A_839] {strides = array<i32>} : memref<2048xi32, #tpu.memory_space<vmem>>, vector<16xi32>,
        %broadcast_in_dim3A_841 = arith.constant 16 : i32
        %broadcast_in_dim3A_842 = vector.broadcast %broadcast_in_dim3A_841 : i32 to vector<16xi32>
        %shift_right_logical3A_843 = arith.shrui %get3A_840, %broadcast_in_dim3A_842 : vector<16xi32>
        %eq3A_844 = arith.cmpi eq, %shift_right_logical3A_843, %broadcast_in_dim3A_404 : vector<16xi32>
        %convert_element_type3A_845 = arith.extui %eq3A_844 : vector<16xi1> to vector<16xi32>
        %or3A_846 = arith.ori %or3A_828, %convert_element_type3A_845 : vector<16xi32>
        %broadcast_in_dim3A_847 = arith.constant 8 : i32
        %broadcast_in_dim3A_848 = vector.broadcast %broadcast_in_dim3A_847 : i32 to vector<16xi32>
        %shift_right_logical3A_849 = arith.shrui %get3A_840, %broadcast_in_dim3A_848 : vector<16xi32>
        %and3A_850 = arith.constant 255 : i32
        %and3A_851 = vector.broadcast %and3A_850 : i32 to vector<16xi32>
        %and3A_852 = arith.andi %shift_right_logical3A_849, %and3A_851 : vector<16xi32>
        tpu.vector_store_idx %arg6[%and3A_852], %broadcast_in_dim3A_13 masked %eq3A_844 {add = true} : memref<256xi32, #tpu.memory_space<vmem>>[vector<16xi32>], vector<16xi32>, vector<16xi1>
        %reduce_max3A = arith.constant true
        %reduce_max3A_853 = vector.broadcast %reduce_max3A : i1 to vector<16xi1>
        %reduce_max3A_854 = arith.constant -2147483648 : i32
        %reduce_max3A_855 = vector.broadcast %reduce_max3A_854 : i32 to vector<16xi32>
        %reduce_max3A_856 = arith.xori %or3A_846, %reduce_max3A_855 : vector<16xi32>
        %reduce_max3A_857 = tpu.scan <max>, %reduce_max3A_856 masked %reduce_max3A_853 : vector<16xi32>, vector<16xi1> -> vector<16xi32>
        %reduce_max3A_858 = arith.xori %reduce_max3A_857, %reduce_max3A_855 : vector<16xi32>
        %reduce_max3A_859 = vector.extract %reduce_max3A_858[15] : i32 from vector<16xi32>
        %swap3A_860 = arith.index_cast %scan3A_806 : i32 to index
        %swap3A_861 = memref.load %arg16[%swap3A_860] : memref<64xi32, #tpu.memory_space<smem>>
        memref.store %reduce_max3A_859, %arg16[%swap3A_860] : memref<64xi32, #tpu.memory_space<smem>>
      } else {
      }
    }
    %scan3A_410 = arith.constant 64 : i32
    "tpu.region"() ({
      %run_scoped3A = tpu.sem_alloc : memref<!tpu.dma_semaphore, #tpu.memory_space<semaphore_mem>>
      %dma_start3A_806 = arith.constant 0 : i32
      %dma_start3A_807 = tpu.memref_slice %arg17[%dma_start3A_806] : memref<1024xi32, #tpu.memory_space<vmem_shared>> -> memref<1024xi32, #tpu.memory_space<vmem_shared>>
      tpu.enqueue_indirect_dma source(%arg6 : memref<256xi32, #tpu.memory_space<vmem>>) target(%dma_start3A_807 : memref<1024xi32, #tpu.memory_space<vmem_shared>>) offsets(%arg10 : memref<256xi32, #tpu.memory_space<vmem>>) semaphore(%run_scoped3A : memref<!tpu.dma_semaphore, #tpu.memory_space<semaphore_mem>>) {add = true}
      %dma_wait3A_808 = arith.constant 0 : i32
      %dma_wait3A_809 = tpu.memref_slice %arg17[%dma_wait3A_808] : memref<1024xi32, #tpu.memory_space<vmem_shared>> -> memref<1024xi32, #tpu.memory_space<vmem_shared>>
      tpu.wait_indirect_dma semaphore(%run_scoped3A : memref<!tpu.dma_semaphore, #tpu.memory_space<semaphore_mem>>) src(%arg6 : memref<256xi32, #tpu.memory_space<vmem>>) dst(%dma_wait3A_809 : memref<1024xi32, #tpu.memory_space<vmem_shared>>)
      tpu.yield
    }) : () -> ()
    %barrier3A_411 = arith.constant 0 : index
    tpu.barrier barrier_id(%barrier3A_411)
    "tpu.region"() ({
      %run_scoped3A = tpu.sem_alloc : memref<!tpu.dma_semaphore, #tpu.memory_space<semaphore_mem>>
      %dma_start3A_806 = arith.constant 512 : i32
      %dma_start3A_807 = tpu.memref_slice %arg17[%dma_start3A_806] : memref<1024xi32, #tpu.memory_space<vmem_shared>> -> memref<256xi32, #tpu.memory_space<vmem_shared>>
      %dma_start3A_808 = arith.constant 512 : i32
      %dma_start3A_809 = tpu.memref_slice %arg17[%dma_start3A_808] : memref<1024xi32, #tpu.memory_space<vmem_shared>> -> memref<256xi32, #tpu.memory_space<vmem_shared>>
      tpu.enqueue_dma source(%dma_start3A_809 : memref<256xi32, #tpu.memory_space<vmem_shared>>) target(%arg7 : memref<256xi32, #tpu.memory_space<vmem>>) target_semaphore(%run_scoped3A : memref<!tpu.dma_semaphore, #tpu.memory_space<semaphore_mem>>)
      %dma_wait3A_810 = arith.constant 512 : i32
      %dma_wait3A_811 = tpu.memref_slice %arg17[%dma_wait3A_810] : memref<1024xi32, #tpu.memory_space<vmem_shared>> -> memref<256xi32, #tpu.memory_space<vmem_shared>>
      %dma_wait3A_812 = arith.constant 512 : i32
      %dma_wait3A_813 = tpu.memref_slice %arg17[%dma_wait3A_812] : memref<1024xi32, #tpu.memory_space<vmem_shared>> -> memref<256xi32, #tpu.memory_space<vmem_shared>>
      tpu.wait_dma2 semaphore(%run_scoped3A : memref<!tpu.dma_semaphore, #tpu.memory_space<semaphore_mem>>) src(%dma_wait3A_813 : memref<256xi32, #tpu.memory_space<vmem_shared>>) dst(%arg7 : memref<256xi32, #tpu.memory_space<vmem>>)
      tpu.yield
    }) : () -> ()
    %mul3A_412 = arith.constant 16 : i32
    %mul3A_413 = vector.broadcast %mul3A_412 : i32 to vector<16xi32>
    %mul3A_414 = arith.muli %iota3A, %mul3A_413 : vector<16xi32>
    %gather3A_415 = tpu.vector_load_idx %arg7[%mul3A_414] : memref<256xi32, #tpu.memory_space<vmem>>[vector<16xi32>], vector<16xi32>,
    %add3A_416 = arith.constant 1 : i32
    %add3A_417 = vector.broadcast %add3A_416 : i32 to vector<16xi32>
    %add3A_418 = arith.addi %mul3A_414, %add3A_417 : vector<16xi32>
    %gather3A_419 = tpu.vector_load_idx %arg7[%add3A_418] : memref<256xi32, #tpu.memory_space<vmem>>[vector<16xi32>], vector<16xi32>,
    %add3A_420 = arith.addi %gather3A_415, %gather3A_419 : vector<16xi32>
    %add3A_421 = arith.constant 2 : i32
    %add3A_422 = vector.broadcast %add3A_421 : i32 to vector<16xi32>
    %add3A_423 = arith.addi %mul3A_414, %add3A_422 : vector<16xi32>
    %gather3A_424 = tpu.vector_load_idx %arg7[%add3A_423] : memref<256xi32, #tpu.memory_space<vmem>>[vector<16xi32>], vector<16xi32>,
    %add3A_425 = arith.addi %add3A_420, %gather3A_424 : vector<16xi32>
    %add3A_426 = arith.constant 3 : i32
    %add3A_427 = vector.broadcast %add3A_426 : i32 to vector<16xi32>
    %add3A_428 = arith.addi %mul3A_414, %add3A_427 : vector<16xi32>
    %gather3A_429 = tpu.vector_load_idx %arg7[%add3A_428] : memref<256xi32, #tpu.memory_space<vmem>>[vector<16xi32>], vector<16xi32>,
    %add3A_430 = arith.addi %add3A_425, %gather3A_429 : vector<16xi32>
    %add3A_431 = arith.constant 4 : i32
    %add3A_432 = vector.broadcast %add3A_431 : i32 to vector<16xi32>
    %add3A_433 = arith.addi %mul3A_414, %add3A_432 : vector<16xi32>
    %gather3A_434 = tpu.vector_load_idx %arg7[%add3A_433] : memref<256xi32, #tpu.memory_space<vmem>>[vector<16xi32>], vector<16xi32>,
    %add3A_435 = arith.addi %add3A_430, %gather3A_434 : vector<16xi32>
    %add3A_436 = arith.constant 5 : i32
    %add3A_437 = vector.broadcast %add3A_436 : i32 to vector<16xi32>
    %add3A_438 = arith.addi %mul3A_414, %add3A_437 : vector<16xi32>
    %gather3A_439 = tpu.vector_load_idx %arg7[%add3A_438] : memref<256xi32, #tpu.memory_space<vmem>>[vector<16xi32>], vector<16xi32>,
    %add3A_440 = arith.addi %add3A_435, %gather3A_439 : vector<16xi32>
    %add3A_441 = arith.constant 6 : i32
    %add3A_442 = vector.broadcast %add3A_441 : i32 to vector<16xi32>
    %add3A_443 = arith.addi %mul3A_414, %add3A_442 : vector<16xi32>
    %gather3A_444 = tpu.vector_load_idx %arg7[%add3A_443] : memref<256xi32, #tpu.memory_space<vmem>>[vector<16xi32>], vector<16xi32>,
    %add3A_445 = arith.addi %add3A_440, %gather3A_444 : vector<16xi32>
    %add3A_446 = arith.constant 7 : i32
    %add3A_447 = vector.broadcast %add3A_446 : i32 to vector<16xi32>
    %add3A_448 = arith.addi %mul3A_414, %add3A_447 : vector<16xi32>
    %gather3A_449 = tpu.vector_load_idx %arg7[%add3A_448] : memref<256xi32, #tpu.memory_space<vmem>>[vector<16xi32>], vector<16xi32>,
    %add3A_450 = arith.addi %add3A_445, %gather3A_449 : vector<16xi32>
    %add3A_451 = arith.constant 8 : i32
    %add3A_452 = vector.broadcast %add3A_451 : i32 to vector<16xi32>
    %add3A_453 = arith.addi %mul3A_414, %add3A_452 : vector<16xi32>
    %gather3A_454 = tpu.vector_load_idx %arg7[%add3A_453] : memref<256xi32, #tpu.memory_space<vmem>>[vector<16xi32>], vector<16xi32>,
    %add3A_455 = arith.addi %add3A_450, %gather3A_454 : vector<16xi32>
    %add3A_456 = arith.constant 9 : i32
    %add3A_457 = vector.broadcast %add3A_456 : i32 to vector<16xi32>
    %add3A_458 = arith.addi %mul3A_414, %add3A_457 : vector<16xi32>
    %gather3A_459 = tpu.vector_load_idx %arg7[%add3A_458] : memref<256xi32, #tpu.memory_space<vmem>>[vector<16xi32>], vector<16xi32>,
    %add3A_460 = arith.addi %add3A_455, %gather3A_459 : vector<16xi32>
    %add3A_461 = arith.constant 10 : i32
    %add3A_462 = vector.broadcast %add3A_461 : i32 to vector<16xi32>
    %add3A_463 = arith.addi %mul3A_414, %add3A_462 : vector<16xi32>
    %gather3A_464 = tpu.vector_load_idx %arg7[%add3A_463] : memref<256xi32, #tpu.memory_space<vmem>>[vector<16xi32>], vector<16xi32>,
    %add3A_465 = arith.addi %add3A_460, %gather3A_464 : vector<16xi32>
    %add3A_466 = arith.constant 11 : i32
    %add3A_467 = vector.broadcast %add3A_466 : i32 to vector<16xi32>
    %add3A_468 = arith.addi %mul3A_414, %add3A_467 : vector<16xi32>
    %gather3A_469 = tpu.vector_load_idx %arg7[%add3A_468] : memref<256xi32, #tpu.memory_space<vmem>>[vector<16xi32>], vector<16xi32>,
    %add3A_470 = arith.addi %add3A_465, %gather3A_469 : vector<16xi32>
    %add3A_471 = arith.constant 12 : i32
    %add3A_472 = vector.broadcast %add3A_471 : i32 to vector<16xi32>
    %add3A_473 = arith.addi %mul3A_414, %add3A_472 : vector<16xi32>
    %gather3A_474 = tpu.vector_load_idx %arg7[%add3A_473] : memref<256xi32, #tpu.memory_space<vmem>>[vector<16xi32>], vector<16xi32>,
    %add3A_475 = arith.addi %add3A_470, %gather3A_474 : vector<16xi32>
    %add3A_476 = arith.constant 13 : i32
    %add3A_477 = vector.broadcast %add3A_476 : i32 to vector<16xi32>
    %add3A_478 = arith.addi %mul3A_414, %add3A_477 : vector<16xi32>
    %gather3A_479 = tpu.vector_load_idx %arg7[%add3A_478] : memref<256xi32, #tpu.memory_space<vmem>>[vector<16xi32>], vector<16xi32>,
    %add3A_480 = arith.addi %add3A_475, %gather3A_479 : vector<16xi32>
    %add3A_481 = arith.constant 14 : i32
    %add3A_482 = vector.broadcast %add3A_481 : i32 to vector<16xi32>
    %add3A_483 = arith.addi %mul3A_414, %add3A_482 : vector<16xi32>
    %gather3A_484 = tpu.vector_load_idx %arg7[%add3A_483] : memref<256xi32, #tpu.memory_space<vmem>>[vector<16xi32>], vector<16xi32>,
    %add3A_485 = arith.addi %add3A_480, %gather3A_484 : vector<16xi32>
    %add3A_486 = arith.constant 15 : i32
    %add3A_487 = vector.broadcast %add3A_486 : i32 to vector<16xi32>
    %add3A_488 = arith.addi %mul3A_414, %add3A_487 : vector<16xi32>
    %gather3A_489 = tpu.vector_load_idx %arg7[%add3A_488] : memref<256xi32, #tpu.memory_space<vmem>>[vector<16xi32>], vector<16xi32>,
    %add3A_490 = arith.addi %add3A_485, %gather3A_489 : vector<16xi32>
    %rev3A_491 = arith.constant 15 : i32
    %rev3A_492 = vector.broadcast %rev3A_491 : i32 to vector<16xi32>
    %rev3A_493 = tpu.iota {dimensions = array<i32: 0>} : vector<16xi32>
    %rev3A_494 = arith.subi %rev3A_492, %rev3A_493 : vector<16xi32>
    %rev3A_495 = tpu.dynamic_gather %add3A_490[%rev3A_494] in [0] : vector<16xi32>, vector<16xi32> -> vector<16xi32>
    %broadcast_in_dim3A_496 = arith.constant true
    %broadcast_in_dim3A_497 = vector.broadcast %broadcast_in_dim3A_496 : i1 to vector<16xi1>
    %masked_cumsum3A_498 = tpu.scan <sum>, %rev3A_495 masked %broadcast_in_dim3A_497 : vector<16xi32>, vector<16xi1> -> vector<16xi32>
    %rev3A_499 = arith.constant 15 : i32
    %rev3A_500 = vector.broadcast %rev3A_499 : i32 to vector<16xi32>
    %rev3A_501 = tpu.iota {dimensions = array<i32: 0>} : vector<16xi32>
    %rev3A_502 = arith.subi %rev3A_500, %rev3A_501 : vector<16xi32>
    %rev3A_503 = tpu.dynamic_gather %masked_cumsum3A_498[%rev3A_502] in [0] : vector<16xi32>, vector<16xi32> -> vector<16xi32>
    %ge3A_504 = vector.broadcast %add3A_394 : i32 to vector<16xi32>
    %ge3A_505 = arith.cmpi sge, %rev3A_503, %ge3A_504 : vector<16xi32>
    %jit3A_506 = arith.constant 1 : i32
    %jit3A_507 = arith.constant 0 : i32
    %broadcast_in_dim3A_508 = vector.broadcast %jit3A_506 : i32 to vector<16xi32>
    %broadcast_in_dim3A_509 = vector.broadcast %jit3A_507 : i32 to vector<16xi32>
    %select_n3A_510 = arith.select %ge3A_505, %broadcast_in_dim3A_508, %broadcast_in_dim3A_509 : vector<16xi1>, vector<16xi32>
    %reduce_sum3A_511 = arith.constant true
    %reduce_sum3A_512 = vector.broadcast %reduce_sum3A_511 : i1 to vector<16xi1>
    %reduce_sum3A_513 = tpu.scan <sum>, %select_n3A_510 masked %reduce_sum3A_512 : vector<16xi32>, vector<16xi1> -> vector<16xi32>
    %reduce_sum3A_514 = vector.extract %reduce_sum3A_513[15] : i32 from vector<16xi32>
    %sub3A_515 = arith.constant 1 : i32
    %sub3A_516 = arith.subi %reduce_sum3A_514, %sub3A_515 : i32
    %jit3A_517 = arith.constant 2147483647 : i32
    %broadcast_in_dim3A_518 = vector.broadcast %jit3A_517 : i32 to vector<16xi32>
    %select_n3A_519 = arith.select %ge3A_505, %rev3A_503, %broadcast_in_dim3A_518 : vector<16xi1>, vector<16xi32>
    %reduce_min3A_520 = arith.constant true
    %reduce_min3A_521 = vector.broadcast %reduce_min3A_520 : i1 to vector<16xi1>
    %reduce_min3A_522 = arith.constant -2147483648 : i32
    %reduce_min3A_523 = vector.broadcast %reduce_min3A_522 : i32 to vector<16xi32>
    %reduce_min3A_524 = arith.xori %select_n3A_519, %reduce_min3A_523 : vector<16xi32>
    %reduce_min3A_525 = tpu.scan <min>, %reduce_min3A_524 masked %reduce_min3A_521 : vector<16xi32>, vector<16xi1> -> vector<16xi32>
    %reduce_min3A_526 = arith.xori %reduce_min3A_525, %reduce_min3A_523 : vector<16xi32>
    %reduce_min3A_527 = vector.extract %reduce_min3A_526[15] : i32 from vector<16xi32>
    %mul3A_528 = arith.constant 16 : i32
    %mul3A_529 = arith.muli %sub3A_516, %mul3A_528 : i32
    %get3A_530 = arith.index_cast %mul3A_529 : i32 to index
    %get3A_531 = tpu.vector_load %arg7[%get3A_530] {strides = array<i32>} : memref<256xi32, #tpu.memory_space<vmem>>, vector<16xi32>,
    %reduce_sum3A_532 = arith.constant true
    %reduce_sum3A_533 = vector.broadcast %reduce_sum3A_532 : i1 to vector<16xi1>
    %reduce_sum3A_534 = tpu.scan <sum>, %get3A_531 masked %reduce_sum3A_533 : vector<16xi32>, vector<16xi1> -> vector<16xi32>
    %reduce_sum3A_535 = vector.extract %reduce_sum3A_534[15] : i32 from vector<16xi32>
    %rev3A_536 = arith.constant 15 : i32
    %rev3A_537 = vector.broadcast %rev3A_536 : i32 to vector<16xi32>
    %rev3A_538 = tpu.iota {dimensions = array<i32: 0>} : vector<16xi32>
    %rev3A_539 = arith.subi %rev3A_537, %rev3A_538 : vector<16xi32>
    %rev3A_540 = tpu.dynamic_gather %get3A_531[%rev3A_539] in [0] : vector<16xi32>, vector<16xi32> -> vector<16xi32>
    %broadcast_in_dim3A_541 = arith.constant true
    %broadcast_in_dim3A_542 = vector.broadcast %broadcast_in_dim3A_541 : i1 to vector<16xi1>
    %masked_cumsum3A_543 = tpu.scan <sum>, %rev3A_540 masked %broadcast_in_dim3A_542 : vector<16xi32>, vector<16xi1> -> vector<16xi32>
    %rev3A_544 = arith.constant 15 : i32
    %rev3A_545 = vector.broadcast %rev3A_544 : i32 to vector<16xi32>
    %rev3A_546 = tpu.iota {dimensions = array<i32: 0>} : vector<16xi32>
    %rev3A_547 = arith.subi %rev3A_545, %rev3A_546 : vector<16xi32>
    %rev3A_548 = tpu.dynamic_gather %masked_cumsum3A_543[%rev3A_547] in [0] : vector<16xi32>, vector<16xi32> -> vector<16xi32>
    %sub3A_549 = arith.subi %reduce_min3A_527, %reduce_sum3A_535 : i32
    %add3A_550 = vector.broadcast %sub3A_549 : i32 to vector<16xi32>
    %add3A_551 = arith.addi %rev3A_548, %add3A_550 : vector<16xi32>
    %ge3A_552 = vector.broadcast %add3A_394 : i32 to vector<16xi32>
    %ge3A_553 = arith.cmpi sge, %add3A_551, %ge3A_552 : vector<16xi32>
    %jit3A_554 = arith.constant 1 : i32
    %jit3A_555 = arith.constant 0 : i32
    %broadcast_in_dim3A_556 = vector.broadcast %jit3A_554 : i32 to vector<16xi32>
    %broadcast_in_dim3A_557 = vector.broadcast %jit3A_555 : i32 to vector<16xi32>
    %select_n3A_558 = arith.select %ge3A_553, %broadcast_in_dim3A_556, %broadcast_in_dim3A_557 : vector<16xi1>, vector<16xi32>
    %reduce_sum3A_559 = arith.constant true
    %reduce_sum3A_560 = vector.broadcast %reduce_sum3A_559 : i1 to vector<16xi1>
    %reduce_sum3A_561 = tpu.scan <sum>, %select_n3A_558 masked %reduce_sum3A_560 : vector<16xi32>, vector<16xi1> -> vector<16xi32>
    %reduce_sum3A_562 = vector.extract %reduce_sum3A_561[15] : i32 from vector<16xi32>
    %jit3A_563 = arith.constant 0 : i32
    %broadcast_in_dim3A_564 = vector.broadcast %jit3A_563 : i32 to vector<16xi32>
    %select_n3A_565 = arith.select %ge3A_553, %get3A_531, %broadcast_in_dim3A_564 : vector<16xi1>, vector<16xi32>
    %reduce_sum3A_566 = arith.constant true
    %reduce_sum3A_567 = vector.broadcast %reduce_sum3A_566 : i1 to vector<16xi1>
    %reduce_sum3A_568 = tpu.scan <sum>, %select_n3A_565 masked %reduce_sum3A_567 : vector<16xi32>, vector<16xi1> -> vector<16xi32>
    %reduce_sum3A_569 = vector.extract %reduce_sum3A_568[15] : i32 from vector<16xi32>
    %mul3A_570 = arith.constant 16 : i32
    %mul3A_571 = arith.muli %sub3A_516, %mul3A_570 : i32
    %add3A_572 = arith.addi %mul3A_571, %reduce_sum3A_562 : i32
    %sub3A_573 = arith.constant 1 : i32
    %sub3A_574 = arith.subi %add3A_572, %sub3A_573 : i32
    %sub3A_575 = arith.subi %add3A_394, %reduce_min3A_527 : i32
    %add3A_576 = arith.addi %sub3A_575, %reduce_sum3A_569 : i32
    %shift_left3A_577 = arith.constant 8 : i32
    %shift_left3A_578 = arith.shli %or3A_397, %shift_left3A_577 : i32
    %or3A_579 = arith.ori %shift_left3A_578, %sub3A_574 : i32
    %scan3A_580 = arith.constant 0 : i32
    %scan3A_581 = arith.constant 0 : i32
    %scan3A_582 = arith.constant 16 : i32
    %scan3A_583 = arith.addi %scan3A_581, %scan3A_582 : i32
    %scan3A_584 = arith.constant 1 : i32
    scf.for %scan3A_806 = %scan3A_581 to %scan3A_583 step %scan3A_584  : i32 {
      %broadcast_in_dim3A_807 = arith.constant 0 : i32
      %broadcast_in_dim3A_808 = vector.broadcast %broadcast_in_dim3A_807 : i32 to vector<16xi32>
      %mul3A_809 = arith.constant 16 : i32
      %mul3A_810 = arith.muli %scan3A_806, %mul3A_809 : i32
      %swap3A_811 = arith.index_cast %mul3A_810 : i32 to index
      %swap3A_812 = tpu.vector_load %arg6[%swap3A_811] {strides = array<i32>} : memref<256xi32, #tpu.memory_space<vmem>>, vector<16xi32>,
      tpu.vector_store %arg6[%swap3A_811], %broadcast_in_dim3A_808 {strides = array<i32>} : memref<256xi32, #tpu.memory_space<vmem>>, vector<16xi32>,
    }
    %scan3A_585 = arith.constant 16 : i32
    %broadcast_in_dim3A_586 = vector.broadcast %or3A_579 : i32 to vector<16xi32>
    %scan3A_587 = arith.constant 0 : i32
    %scan3A_588 = arith.constant 0 : i32
    %scan3A_589 = arith.constant 64 : i32
    %scan3A_590 = arith.addi %scan3A_588, %scan3A_589 : i32
    %scan3A_591 = arith.constant 1 : i32
    scf.for %scan3A_806 = %scan3A_588 to %scan3A_590 step %scan3A_591  : i32 {
      %get3A_807 = arith.index_cast %scan3A_806 : i32 to index
      %get3A_808 = memref.load %arg16[%get3A_807] : memref<64xi32, #tpu.memory_space<smem>>
      %swap3A_809 = arith.constant 0 : i32
      %swap3A_810 = arith.index_cast %scan3A_806 : i32 to index
      %swap3A_811 = memref.load %arg16[%swap3A_810] : memref<64xi32, #tpu.memory_space<smem>>
      memref.store %swap3A_809, %arg16[%swap3A_810] : memref<64xi32, #tpu.memory_space<smem>>
      %ne3A = arith.constant 0 : i32
      %ne3A_812 = arith.cmpi ne, %get3A_808, %ne3A : i32
      %convert_element_type3A_813 = arith.extui %ne3A_812 : i1 to i32
      %cond3A_814 = arith.constant 0 : i32
      %cond3A_815 = arith.cmpi ne, %convert_element_type3A_813, %cond3A_814 : i32
      scf.if %cond3A_815 {
        %broadcast_in_dim3A_816 = arith.constant 0 : i32
        %broadcast_in_dim3A_817 = vector.broadcast %broadcast_in_dim3A_816 : i32 to vector<16xi32>
        %mul3A_818 = arith.constant 32 : i32
        %mul3A_819 = arith.muli %scan3A_806, %mul3A_818 : i32
        %add3A_820 = arith.constant 0 : i32
        %add3A_821 = arith.addi %mul3A_819, %add3A_820 : i32
        %get3A_822 = arith.index_cast %add3A_821 : i32 to index
        %get3A_823 = tpu.vector_load %arg5[%get3A_822] {strides = array<i32>} : memref<2048xi32, #tpu.memory_space<vmem>>, vector<16xi32>,
        %broadcast_in_dim3A_824 = arith.constant 8 : i32
        %broadcast_in_dim3A_825 = vector.broadcast %broadcast_in_dim3A_824 : i32 to vector<16xi32>
        %shift_right_logical3A = arith.shrui %get3A_823, %broadcast_in_dim3A_825 : vector<16xi32>
        %eq3A_826 = arith.cmpi eq, %shift_right_logical3A, %broadcast_in_dim3A_586 : vector<16xi32>
        %convert_element_type3A_827 = arith.extui %eq3A_826 : vector<16xi1> to vector<16xi32>
        %or3A_828 = arith.ori %broadcast_in_dim3A_817, %convert_element_type3A_827 : vector<16xi32>
        %broadcast_in_dim3A_829 = arith.constant 0 : i32
        %broadcast_in_dim3A_830 = vector.broadcast %broadcast_in_dim3A_829 : i32 to vector<16xi32>
        %shift_right_logical3A_831 = arith.shrui %get3A_823, %broadcast_in_dim3A_830 : vector<16xi32>
        %and3A_832 = arith.constant 255 : i32
        %and3A_833 = vector.broadcast %and3A_832 : i32 to vector<16xi32>
        %and3A_834 = arith.andi %shift_right_logical3A_831, %and3A_833 : vector<16xi32>
        tpu.vector_store_idx %arg6[%and3A_834], %broadcast_in_dim3A_13 masked %eq3A_826 {add = true} : memref<256xi32, #tpu.memory_space<vmem>>[vector<16xi32>], vector<16xi32>, vector<16xi1>
        %mul3A_835 = arith.constant 32 : i32
        %mul3A_836 = arith.muli %scan3A_806, %mul3A_835 : i32
        %add3A_837 = arith.constant 16 : i32
        %add3A_838 = arith.addi %mul3A_836, %add3A_837 : i32
        %get3A_839 = arith.index_cast %add3A_838 : i32 to index
        %get3A_840 = tpu.vector_load %arg5[%get3A_839] {strides = array<i32>} : memref<2048xi32, #tpu.memory_space<vmem>>, vector<16xi32>,
        %broadcast_in_dim3A_841 = arith.constant 8 : i32
        %broadcast_in_dim3A_842 = vector.broadcast %broadcast_in_dim3A_841 : i32 to vector<16xi32>
        %shift_right_logical3A_843 = arith.shrui %get3A_840, %broadcast_in_dim3A_842 : vector<16xi32>
        %eq3A_844 = arith.cmpi eq, %shift_right_logical3A_843, %broadcast_in_dim3A_586 : vector<16xi32>
        %convert_element_type3A_845 = arith.extui %eq3A_844 : vector<16xi1> to vector<16xi32>
        %or3A_846 = arith.ori %or3A_828, %convert_element_type3A_845 : vector<16xi32>
        %broadcast_in_dim3A_847 = arith.constant 0 : i32
        %broadcast_in_dim3A_848 = vector.broadcast %broadcast_in_dim3A_847 : i32 to vector<16xi32>
        %shift_right_logical3A_849 = arith.shrui %get3A_840, %broadcast_in_dim3A_848 : vector<16xi32>
        %and3A_850 = arith.constant 255 : i32
        %and3A_851 = vector.broadcast %and3A_850 : i32 to vector<16xi32>
        %and3A_852 = arith.andi %shift_right_logical3A_849, %and3A_851 : vector<16xi32>
        tpu.vector_store_idx %arg6[%and3A_852], %broadcast_in_dim3A_13 masked %eq3A_844 {add = true} : memref<256xi32, #tpu.memory_space<vmem>>[vector<16xi32>], vector<16xi32>, vector<16xi1>
        %reduce_max3A = arith.constant true
        %reduce_max3A_853 = vector.broadcast %reduce_max3A : i1 to vector<16xi1>
        %reduce_max3A_854 = arith.constant -2147483648 : i32
        %reduce_max3A_855 = vector.broadcast %reduce_max3A_854 : i32 to vector<16xi32>
        %reduce_max3A_856 = arith.xori %or3A_846, %reduce_max3A_855 : vector<16xi32>
        %reduce_max3A_857 = tpu.scan <max>, %reduce_max3A_856 masked %reduce_max3A_853 : vector<16xi32>, vector<16xi1> -> vector<16xi32>
        %reduce_max3A_858 = arith.xori %reduce_max3A_857, %reduce_max3A_855 : vector<16xi32>
        %reduce_max3A_859 = vector.extract %reduce_max3A_858[15] : i32 from vector<16xi32>
        %swap3A_860 = arith.index_cast %scan3A_806 : i32 to index
        %swap3A_861 = memref.load %arg16[%swap3A_860] : memref<64xi32, #tpu.memory_space<smem>>
        memref.store %reduce_max3A_859, %arg16[%swap3A_860] : memref<64xi32, #tpu.memory_space<smem>>
      } else {
      }
    }
    %scan3A_592 = arith.constant 64 : i32
    "tpu.region"() ({
      %run_scoped3A = tpu.sem_alloc : memref<!tpu.dma_semaphore, #tpu.memory_space<semaphore_mem>>
      %dma_start3A_806 = arith.constant 0 : i32
      %dma_start3A_807 = tpu.memref_slice %arg17[%dma_start3A_806] : memref<1024xi32, #tpu.memory_space<vmem_shared>> -> memref<1024xi32, #tpu.memory_space<vmem_shared>>
      tpu.enqueue_indirect_dma source(%arg6 : memref<256xi32, #tpu.memory_space<vmem>>) target(%dma_start3A_807 : memref<1024xi32, #tpu.memory_space<vmem_shared>>) offsets(%arg11 : memref<256xi32, #tpu.memory_space<vmem>>) semaphore(%run_scoped3A : memref<!tpu.dma_semaphore, #tpu.memory_space<semaphore_mem>>) {add = true}
      %dma_wait3A_808 = arith.constant 0 : i32
      %dma_wait3A_809 = tpu.memref_slice %arg17[%dma_wait3A_808] : memref<1024xi32, #tpu.memory_space<vmem_shared>> -> memref<1024xi32, #tpu.memory_space<vmem_shared>>
      tpu.wait_indirect_dma semaphore(%run_scoped3A : memref<!tpu.dma_semaphore, #tpu.memory_space<semaphore_mem>>) src(%arg6 : memref<256xi32, #tpu.memory_space<vmem>>) dst(%dma_wait3A_809 : memref<1024xi32, #tpu.memory_space<vmem_shared>>)
      tpu.yield
    }) : () -> ()
    %barrier3A_593 = arith.constant 0 : index
    tpu.barrier barrier_id(%barrier3A_593)
    "tpu.region"() ({
      %run_scoped3A = tpu.sem_alloc : memref<!tpu.dma_semaphore, #tpu.memory_space<semaphore_mem>>
      %dma_start3A_806 = arith.constant 768 : i32
      %dma_start3A_807 = tpu.memref_slice %arg17[%dma_start3A_806] : memref<1024xi32, #tpu.memory_space<vmem_shared>> -> memref<256xi32, #tpu.memory_space<vmem_shared>>
      %dma_start3A_808 = arith.constant 768 : i32
      %dma_start3A_809 = tpu.memref_slice %arg17[%dma_start3A_808] : memref<1024xi32, #tpu.memory_space<vmem_shared>> -> memref<256xi32, #tpu.memory_space<vmem_shared>>
      tpu.enqueue_dma source(%dma_start3A_809 : memref<256xi32, #tpu.memory_space<vmem_shared>>) target(%arg7 : memref<256xi32, #tpu.memory_space<vmem>>) target_semaphore(%run_scoped3A : memref<!tpu.dma_semaphore, #tpu.memory_space<semaphore_mem>>)
      %dma_wait3A_810 = arith.constant 768 : i32
      %dma_wait3A_811 = tpu.memref_slice %arg17[%dma_wait3A_810] : memref<1024xi32, #tpu.memory_space<vmem_shared>> -> memref<256xi32, #tpu.memory_space<vmem_shared>>
      %dma_wait3A_812 = arith.constant 768 : i32
      %dma_wait3A_813 = tpu.memref_slice %arg17[%dma_wait3A_812] : memref<1024xi32, #tpu.memory_space<vmem_shared>> -> memref<256xi32, #tpu.memory_space<vmem_shared>>
      tpu.wait_dma2 semaphore(%run_scoped3A : memref<!tpu.dma_semaphore, #tpu.memory_space<semaphore_mem>>) src(%dma_wait3A_813 : memref<256xi32, #tpu.memory_space<vmem_shared>>) dst(%arg7 : memref<256xi32, #tpu.memory_space<vmem>>)
      tpu.yield
    }) : () -> ()
    %mul3A_594 = arith.constant 16 : i32
    %mul3A_595 = vector.broadcast %mul3A_594 : i32 to vector<16xi32>
    %mul3A_596 = arith.muli %iota3A, %mul3A_595 : vector<16xi32>
    %gather3A_597 = tpu.vector_load_idx %arg7[%mul3A_596] : memref<256xi32, #tpu.memory_space<vmem>>[vector<16xi32>], vector<16xi32>,
    %add3A_598 = arith.constant 1 : i32
    %add3A_599 = vector.broadcast %add3A_598 : i32 to vector<16xi32>
    %add3A_600 = arith.addi %mul3A_596, %add3A_599 : vector<16xi32>
    %gather3A_601 = tpu.vector_load_idx %arg7[%add3A_600] : memref<256xi32, #tpu.memory_space<vmem>>[vector<16xi32>], vector<16xi32>,
    %add3A_602 = arith.addi %gather3A_597, %gather3A_601 : vector<16xi32>
    %add3A_603 = arith.constant 2 : i32
    %add3A_604 = vector.broadcast %add3A_603 : i32 to vector<16xi32>
    %add3A_605 = arith.addi %mul3A_596, %add3A_604 : vector<16xi32>
    %gather3A_606 = tpu.vector_load_idx %arg7[%add3A_605] : memref<256xi32, #tpu.memory_space<vmem>>[vector<16xi32>], vector<16xi32>,
    %add3A_607 = arith.addi %add3A_602, %gather3A_606 : vector<16xi32>
    %add3A_608 = arith.constant 3 : i32
    %add3A_609 = vector.broadcast %add3A_608 : i32 to vector<16xi32>
    %add3A_610 = arith.addi %mul3A_596, %add3A_609 : vector<16xi32>
    %gather3A_611 = tpu.vector_load_idx %arg7[%add3A_610] : memref<256xi32, #tpu.memory_space<vmem>>[vector<16xi32>], vector<16xi32>,
    %add3A_612 = arith.addi %add3A_607, %gather3A_611 : vector<16xi32>
    %add3A_613 = arith.constant 4 : i32
    %add3A_614 = vector.broadcast %add3A_613 : i32 to vector<16xi32>
    %add3A_615 = arith.addi %mul3A_596, %add3A_614 : vector<16xi32>
    %gather3A_616 = tpu.vector_load_idx %arg7[%add3A_615] : memref<256xi32, #tpu.memory_space<vmem>>[vector<16xi32>], vector<16xi32>,
    %add3A_617 = arith.addi %add3A_612, %gather3A_616 : vector<16xi32>
    %add3A_618 = arith.constant 5 : i32
    %add3A_619 = vector.broadcast %add3A_618 : i32 to vector<16xi32>
    %add3A_620 = arith.addi %mul3A_596, %add3A_619 : vector<16xi32>
    %gather3A_621 = tpu.vector_load_idx %arg7[%add3A_620] : memref<256xi32, #tpu.memory_space<vmem>>[vector<16xi32>], vector<16xi32>,
    %add3A_622 = arith.addi %add3A_617, %gather3A_621 : vector<16xi32>
    %add3A_623 = arith.constant 6 : i32
    %add3A_624 = vector.broadcast %add3A_623 : i32 to vector<16xi32>
    %add3A_625 = arith.addi %mul3A_596, %add3A_624 : vector<16xi32>
    %gather3A_626 = tpu.vector_load_idx %arg7[%add3A_625] : memref<256xi32, #tpu.memory_space<vmem>>[vector<16xi32>], vector<16xi32>,
    %add3A_627 = arith.addi %add3A_622, %gather3A_626 : vector<16xi32>
    %add3A_628 = arith.constant 7 : i32
    %add3A_629 = vector.broadcast %add3A_628 : i32 to vector<16xi32>
    %add3A_630 = arith.addi %mul3A_596, %add3A_629 : vector<16xi32>
    %gather3A_631 = tpu.vector_load_idx %arg7[%add3A_630] : memref<256xi32, #tpu.memory_space<vmem>>[vector<16xi32>], vector<16xi32>,
    %add3A_632 = arith.addi %add3A_627, %gather3A_631 : vector<16xi32>
    %add3A_633 = arith.constant 8 : i32
    %add3A_634 = vector.broadcast %add3A_633 : i32 to vector<16xi32>
    %add3A_635 = arith.addi %mul3A_596, %add3A_634 : vector<16xi32>
    %gather3A_636 = tpu.vector_load_idx %arg7[%add3A_635] : memref<256xi32, #tpu.memory_space<vmem>>[vector<16xi32>], vector<16xi32>,
    %add3A_637 = arith.addi %add3A_632, %gather3A_636 : vector<16xi32>
    %add3A_638 = arith.constant 9 : i32
    %add3A_639 = vector.broadcast %add3A_638 : i32 to vector<16xi32>
    %add3A_640 = arith.addi %mul3A_596, %add3A_639 : vector<16xi32>
    %gather3A_641 = tpu.vector_load_idx %arg7[%add3A_640] : memref<256xi32, #tpu.memory_space<vmem>>[vector<16xi32>], vector<16xi32>,
    %add3A_642 = arith.addi %add3A_637, %gather3A_641 : vector<16xi32>
    %add3A_643 = arith.constant 10 : i32
    %add3A_644 = vector.broadcast %add3A_643 : i32 to vector<16xi32>
    %add3A_645 = arith.addi %mul3A_596, %add3A_644 : vector<16xi32>
    %gather3A_646 = tpu.vector_load_idx %arg7[%add3A_645] : memref<256xi32, #tpu.memory_space<vmem>>[vector<16xi32>], vector<16xi32>,
    %add3A_647 = arith.addi %add3A_642, %gather3A_646 : vector<16xi32>
    %add3A_648 = arith.constant 11 : i32
    %add3A_649 = vector.broadcast %add3A_648 : i32 to vector<16xi32>
    %add3A_650 = arith.addi %mul3A_596, %add3A_649 : vector<16xi32>
    %gather3A_651 = tpu.vector_load_idx %arg7[%add3A_650] : memref<256xi32, #tpu.memory_space<vmem>>[vector<16xi32>], vector<16xi32>,
    %add3A_652 = arith.addi %add3A_647, %gather3A_651 : vector<16xi32>
    %add3A_653 = arith.constant 12 : i32
    %add3A_654 = vector.broadcast %add3A_653 : i32 to vector<16xi32>
    %add3A_655 = arith.addi %mul3A_596, %add3A_654 : vector<16xi32>
    %gather3A_656 = tpu.vector_load_idx %arg7[%add3A_655] : memref<256xi32, #tpu.memory_space<vmem>>[vector<16xi32>], vector<16xi32>,
    %add3A_657 = arith.addi %add3A_652, %gather3A_656 : vector<16xi32>
    %add3A_658 = arith.constant 13 : i32
    %add3A_659 = vector.broadcast %add3A_658 : i32 to vector<16xi32>
    %add3A_660 = arith.addi %mul3A_596, %add3A_659 : vector<16xi32>
    %gather3A_661 = tpu.vector_load_idx %arg7[%add3A_660] : memref<256xi32, #tpu.memory_space<vmem>>[vector<16xi32>], vector<16xi32>,
    %add3A_662 = arith.addi %add3A_657, %gather3A_661 : vector<16xi32>
    %add3A_663 = arith.constant 14 : i32
    %add3A_664 = vector.broadcast %add3A_663 : i32 to vector<16xi32>
    %add3A_665 = arith.addi %mul3A_596, %add3A_664 : vector<16xi32>
    %gather3A_666 = tpu.vector_load_idx %arg7[%add3A_665] : memref<256xi32, #tpu.memory_space<vmem>>[vector<16xi32>], vector<16xi32>,
    %add3A_667 = arith.addi %add3A_662, %gather3A_666 : vector<16xi32>
    %add3A_668 = arith.constant 15 : i32
    %add3A_669 = vector.broadcast %add3A_668 : i32 to vector<16xi32>
    %add3A_670 = arith.addi %mul3A_596, %add3A_669 : vector<16xi32>
    %gather3A_671 = tpu.vector_load_idx %arg7[%add3A_670] : memref<256xi32, #tpu.memory_space<vmem>>[vector<16xi32>], vector<16xi32>,
    %add3A_672 = arith.addi %add3A_667, %gather3A_671 : vector<16xi32>
    %rev3A_673 = arith.constant 15 : i32
    %rev3A_674 = vector.broadcast %rev3A_673 : i32 to vector<16xi32>
    %rev3A_675 = tpu.iota {dimensions = array<i32: 0>} : vector<16xi32>
    %rev3A_676 = arith.subi %rev3A_674, %rev3A_675 : vector<16xi32>
    %rev3A_677 = tpu.dynamic_gather %add3A_672[%rev3A_676] in [0] : vector<16xi32>, vector<16xi32> -> vector<16xi32>
    %broadcast_in_dim3A_678 = arith.constant true
    %broadcast_in_dim3A_679 = vector.broadcast %broadcast_in_dim3A_678 : i1 to vector<16xi1>
    %masked_cumsum3A_680 = tpu.scan <sum>, %rev3A_677 masked %broadcast_in_dim3A_679 : vector<16xi32>, vector<16xi1> -> vector<16xi32>
    %rev3A_681 = arith.constant 15 : i32
    %rev3A_682 = vector.broadcast %rev3A_681 : i32 to vector<16xi32>
    %rev3A_683 = tpu.iota {dimensions = array<i32: 0>} : vector<16xi32>
    %rev3A_684 = arith.subi %rev3A_682, %rev3A_683 : vector<16xi32>
    %rev3A_685 = tpu.dynamic_gather %masked_cumsum3A_680[%rev3A_684] in [0] : vector<16xi32>, vector<16xi32> -> vector<16xi32>
    %ge3A_686 = vector.broadcast %add3A_576 : i32 to vector<16xi32>
    %ge3A_687 = arith.cmpi sge, %rev3A_685, %ge3A_686 : vector<16xi32>
    %jit3A_688 = arith.constant 1 : i32
    %jit3A_689 = arith.constant 0 : i32
    %broadcast_in_dim3A_690 = vector.broadcast %jit3A_688 : i32 to vector<16xi32>
    %broadcast_in_dim3A_691 = vector.broadcast %jit3A_689 : i32 to vector<16xi32>
    %select_n3A_692 = arith.select %ge3A_687, %broadcast_in_dim3A_690, %broadcast_in_dim3A_691 : vector<16xi1>, vector<16xi32>
    %reduce_sum3A_693 = arith.constant true
    %reduce_sum3A_694 = vector.broadcast %reduce_sum3A_693 : i1 to vector<16xi1>
    %reduce_sum3A_695 = tpu.scan <sum>, %select_n3A_692 masked %reduce_sum3A_694 : vector<16xi32>, vector<16xi1> -> vector<16xi32>
    %reduce_sum3A_696 = vector.extract %reduce_sum3A_695[15] : i32 from vector<16xi32>
    %sub3A_697 = arith.constant 1 : i32
    %sub3A_698 = arith.subi %reduce_sum3A_696, %sub3A_697 : i32
    %jit3A_699 = arith.constant 2147483647 : i32
    %broadcast_in_dim3A_700 = vector.broadcast %jit3A_699 : i32 to vector<16xi32>
    %select_n3A_701 = arith.select %ge3A_687, %rev3A_685, %broadcast_in_dim3A_700 : vector<16xi1>, vector<16xi32>
    %reduce_min3A_702 = arith.constant true
    %reduce_min3A_703 = vector.broadcast %reduce_min3A_702 : i1 to vector<16xi1>
    %reduce_min3A_704 = arith.constant -2147483648 : i32
    %reduce_min3A_705 = vector.broadcast %reduce_min3A_704 : i32 to vector<16xi32>
    %reduce_min3A_706 = arith.xori %select_n3A_701, %reduce_min3A_705 : vector<16xi32>
    %reduce_min3A_707 = tpu.scan <min>, %reduce_min3A_706 masked %reduce_min3A_703 : vector<16xi32>, vector<16xi1> -> vector<16xi32>
    %reduce_min3A_708 = arith.xori %reduce_min3A_707, %reduce_min3A_705 : vector<16xi32>
    %reduce_min3A_709 = vector.extract %reduce_min3A_708[15] : i32 from vector<16xi32>
    %mul3A_710 = arith.constant 16 : i32
    %mul3A_711 = arith.muli %sub3A_698, %mul3A_710 : i32
    %get3A_712 = arith.index_cast %mul3A_711 : i32 to index
    %get3A_713 = tpu.vector_load %arg7[%get3A_712] {strides = array<i32>} : memref<256xi32, #tpu.memory_space<vmem>>, vector<16xi32>,
    %reduce_sum3A_714 = arith.constant true
    %reduce_sum3A_715 = vector.broadcast %reduce_sum3A_714 : i1 to vector<16xi1>
    %reduce_sum3A_716 = tpu.scan <sum>, %get3A_713 masked %reduce_sum3A_715 : vector<16xi32>, vector<16xi1> -> vector<16xi32>
    %reduce_sum3A_717 = vector.extract %reduce_sum3A_716[15] : i32 from vector<16xi32>
    %rev3A_718 = arith.constant 15 : i32
    %rev3A_719 = vector.broadcast %rev3A_718 : i32 to vector<16xi32>
    %rev3A_720 = tpu.iota {dimensions = array<i32: 0>} : vector<16xi32>
    %rev3A_721 = arith.subi %rev3A_719, %rev3A_720 : vector<16xi32>
    %rev3A_722 = tpu.dynamic_gather %get3A_713[%rev3A_721] in [0] : vector<16xi32>, vector<16xi32> -> vector<16xi32>
    %broadcast_in_dim3A_723 = arith.constant true
    %broadcast_in_dim3A_724 = vector.broadcast %broadcast_in_dim3A_723 : i1 to vector<16xi1>
    %masked_cumsum3A_725 = tpu.scan <sum>, %rev3A_722 masked %broadcast_in_dim3A_724 : vector<16xi32>, vector<16xi1> -> vector<16xi32>
    %rev3A_726 = arith.constant 15 : i32
    %rev3A_727 = vector.broadcast %rev3A_726 : i32 to vector<16xi32>
    %rev3A_728 = tpu.iota {dimensions = array<i32: 0>} : vector<16xi32>
    %rev3A_729 = arith.subi %rev3A_727, %rev3A_728 : vector<16xi32>
    %rev3A_730 = tpu.dynamic_gather %masked_cumsum3A_725[%rev3A_729] in [0] : vector<16xi32>, vector<16xi32> -> vector<16xi32>
    %sub3A_731 = arith.subi %reduce_min3A_709, %reduce_sum3A_717 : i32
    %add3A_732 = vector.broadcast %sub3A_731 : i32 to vector<16xi32>
    %add3A_733 = arith.addi %rev3A_730, %add3A_732 : vector<16xi32>
    %ge3A_734 = vector.broadcast %add3A_576 : i32 to vector<16xi32>
    %ge3A_735 = arith.cmpi sge, %add3A_733, %ge3A_734 : vector<16xi32>
    %jit3A_736 = arith.constant 1 : i32
    %jit3A_737 = arith.constant 0 : i32
    %broadcast_in_dim3A_738 = vector.broadcast %jit3A_736 : i32 to vector<16xi32>
    %broadcast_in_dim3A_739 = vector.broadcast %jit3A_737 : i32 to vector<16xi32>
    %select_n3A_740 = arith.select %ge3A_735, %broadcast_in_dim3A_738, %broadcast_in_dim3A_739 : vector<16xi1>, vector<16xi32>
    %reduce_sum3A_741 = arith.constant true
    %reduce_sum3A_742 = vector.broadcast %reduce_sum3A_741 : i1 to vector<16xi1>
    %reduce_sum3A_743 = tpu.scan <sum>, %select_n3A_740 masked %reduce_sum3A_742 : vector<16xi32>, vector<16xi1> -> vector<16xi32>
    %reduce_sum3A_744 = vector.extract %reduce_sum3A_743[15] : i32 from vector<16xi32>
    %jit3A_745 = arith.constant 0 : i32
    %broadcast_in_dim3A_746 = vector.broadcast %jit3A_745 : i32 to vector<16xi32>
    %select_n3A_747 = arith.select %ge3A_735, %get3A_713, %broadcast_in_dim3A_746 : vector<16xi1>, vector<16xi32>
    %reduce_sum3A_748 = arith.constant true
    %reduce_sum3A_749 = vector.broadcast %reduce_sum3A_748 : i1 to vector<16xi1>
    %reduce_sum3A_750 = tpu.scan <sum>, %select_n3A_747 masked %reduce_sum3A_749 : vector<16xi32>, vector<16xi1> -> vector<16xi32>
    %reduce_sum3A_751 = vector.extract %reduce_sum3A_750[15] : i32 from vector<16xi32>
    %mul3A_752 = arith.constant 16 : i32
    %mul3A_753 = arith.muli %sub3A_698, %mul3A_752 : i32
    %add3A_754 = arith.addi %mul3A_753, %reduce_sum3A_744 : i32
    %sub3A_755 = arith.constant 1 : i32
    %sub3A_756 = arith.subi %add3A_754, %sub3A_755 : i32
    %sub3A_757 = arith.subi %add3A_576, %reduce_min3A_709 : i32
    %add3A_758 = arith.addi %sub3A_757, %reduce_sum3A_751 : i32
    %shift_left3A_759 = arith.constant 8 : i32
    %shift_left3A_760 = arith.shli %or3A_579, %shift_left3A_759 : i32
    %or3A_761 = arith.ori %shift_left3A_760, %sub3A_756 : i32
    %xor3A = arith.constant -2147483648 : i32
    %xor3A_762 = arith.xori %or3A_761, %xor3A : i32
    %broadcast_in_dim3A_763 = arith.constant 0.000000e+00 : f32
    %broadcast_in_dim3A_764 = vector.broadcast %broadcast_in_dim3A_763 : f32 to vector<16xf32>
    %scan3A_765 = arith.constant 0 : i32
    %scan3A_766 = arith.constant 32 : i32
    %scan3A_767 = arith.addi %scan3A_765, %scan3A_766 : i32
    %scan3A_768 = arith.constant 1 : i32
    %scan3A_769 = scf.for %scan3A_806 = %scan3A_765 to %scan3A_767 step %scan3A_768 iter_args(%scan3A_807 = %broadcast_in_dim3A_764) -> (vector<16xf32>)  : i32 {
      %mul3A_808 = arith.constant 64 : i32
      %mul3A_809 = arith.muli %scan3A_806, %mul3A_808 : i32
      %add3A_810 = arith.constant 0 : i32
      %add3A_811 = arith.addi %mul3A_809, %add3A_810 : i32
      %get3A_812 = arith.index_cast %add3A_811 : i32 to index
      %get3A_813 = tpu.vector_load %arg5[%get3A_812] {strides = array<i32>} : memref<2048xi32, #tpu.memory_space<vmem>>, vector<16xi32>,
      %get3A_814 = arith.index_cast %add3A_811 : i32 to index
      %get3A_815 = tpu.vector_load %arg4[%get3A_814] {strides = array<i32>} : memref<2048xf32, #tpu.memory_space<vmem>>, vector<16xf32>,
      %xor3A_816 = arith.constant -2147483648 : i32
      %xor3A_817 = vector.broadcast %xor3A_816 : i32 to vector<16xi32>
      %xor3A_818 = arith.xori %get3A_813, %xor3A_817 : vector<16xi32>
      %gt3A = vector.broadcast %xor3A_762 : i32 to vector<16xi32>
      %gt3A_819 = arith.cmpi sgt, %xor3A_818, %gt3A : vector<16xi32>
      %jit3A_820 = arith.constant 0.000000e+00 : f32
      %broadcast_in_dim3A_821 = vector.broadcast %jit3A_820 : f32 to vector<16xf32>
      %select_n3A_822 = arith.select %gt3A_819, %get3A_815, %broadcast_in_dim3A_821 : vector<16xi1>, vector<16xf32>
      %add3A_823 = arith.addf %scan3A_807, %select_n3A_822 : vector<16xf32>
      %mul3A_824 = arith.constant 64 : i32
      %mul3A_825 = arith.muli %scan3A_806, %mul3A_824 : i32
      %add3A_826 = arith.constant 16 : i32
      %add3A_827 = arith.addi %mul3A_825, %add3A_826 : i32
      %get3A_828 = arith.index_cast %add3A_827 : i32 to index
      %get3A_829 = tpu.vector_load %arg5[%get3A_828] {strides = array<i32>} : memref<2048xi32, #tpu.memory_space<vmem>>, vector<16xi32>,
      %get3A_830 = arith.index_cast %add3A_827 : i32 to index
      %get3A_831 = tpu.vector_load %arg4[%get3A_830] {strides = array<i32>} : memref<2048xf32, #tpu.memory_space<vmem>>, vector<16xf32>,
      %xor3A_832 = arith.constant -2147483648 : i32
      %xor3A_833 = vector.broadcast %xor3A_832 : i32 to vector<16xi32>
      %xor3A_834 = arith.xori %get3A_829, %xor3A_833 : vector<16xi32>
      %gt3A_835 = vector.broadcast %xor3A_762 : i32 to vector<16xi32>
      %gt3A_836 = arith.cmpi sgt, %xor3A_834, %gt3A_835 : vector<16xi32>
      %jit3A_837 = arith.constant 0.000000e+00 : f32
      %broadcast_in_dim3A_838 = vector.broadcast %jit3A_837 : f32 to vector<16xf32>
      %select_n3A_839 = arith.select %gt3A_836, %get3A_831, %broadcast_in_dim3A_838 : vector<16xi1>, vector<16xf32>
      %add3A_840 = arith.addf %add3A_823, %select_n3A_839 : vector<16xf32>
      %mul3A_841 = arith.constant 64 : i32
      %mul3A_842 = arith.muli %scan3A_806, %mul3A_841 : i32
      %add3A_843 = arith.constant 32 : i32
      %add3A_844 = arith.addi %mul3A_842, %add3A_843 : i32
      %get3A_845 = arith.index_cast %add3A_844 : i32 to index
      %get3A_846 = tpu.vector_load %arg5[%get3A_845] {strides = array<i32>} : memref<2048xi32, #tpu.memory_space<vmem>>, vector<16xi32>,
      %get3A_847 = arith.index_cast %add3A_844 : i32 to index
      %get3A_848 = tpu.vector_load %arg4[%get3A_847] {strides = array<i32>} : memref<2048xf32, #tpu.memory_space<vmem>>, vector<16xf32>,
      %xor3A_849 = arith.constant -2147483648 : i32
      %xor3A_850 = vector.broadcast %xor3A_849 : i32 to vector<16xi32>
      %xor3A_851 = arith.xori %get3A_846, %xor3A_850 : vector<16xi32>
      %gt3A_852 = vector.broadcast %xor3A_762 : i32 to vector<16xi32>
      %gt3A_853 = arith.cmpi sgt, %xor3A_851, %gt3A_852 : vector<16xi32>
      %jit3A_854 = arith.constant 0.000000e+00 : f32
      %broadcast_in_dim3A_855 = vector.broadcast %jit3A_854 : f32 to vector<16xf32>
      %select_n3A_856 = arith.select %gt3A_853, %get3A_848, %broadcast_in_dim3A_855 : vector<16xi1>, vector<16xf32>
      %add3A_857 = arith.addf %add3A_840, %select_n3A_856 : vector<16xf32>
      %mul3A_858 = arith.constant 64 : i32
      %mul3A_859 = arith.muli %scan3A_806, %mul3A_858 : i32
      %add3A_860 = arith.constant 48 : i32
      %add3A_861 = arith.addi %mul3A_859, %add3A_860 : i32
      %get3A_862 = arith.index_cast %add3A_861 : i32 to index
      %get3A_863 = tpu.vector_load %arg5[%get3A_862] {strides = array<i32>} : memref<2048xi32, #tpu.memory_space<vmem>>, vector<16xi32>,
      %get3A_864 = arith.index_cast %add3A_861 : i32 to index
      %get3A_865 = tpu.vector_load %arg4[%get3A_864] {strides = array<i32>} : memref<2048xf32, #tpu.memory_space<vmem>>, vector<16xf32>,
      %xor3A_866 = arith.constant -2147483648 : i32
      %xor3A_867 = vector.broadcast %xor3A_866 : i32 to vector<16xi32>
      %xor3A_868 = arith.xori %get3A_863, %xor3A_867 : vector<16xi32>
      %gt3A_869 = vector.broadcast %xor3A_762 : i32 to vector<16xi32>
      %gt3A_870 = arith.cmpi sgt, %xor3A_868, %gt3A_869 : vector<16xi32>
      %jit3A_871 = arith.constant 0.000000e+00 : f32
      %broadcast_in_dim3A_872 = vector.broadcast %jit3A_871 : f32 to vector<16xf32>
      %select_n3A_873 = arith.select %gt3A_870, %get3A_865, %broadcast_in_dim3A_872 : vector<16xi1>, vector<16xf32>
      %add3A_874 = arith.addf %add3A_857, %select_n3A_873 : vector<16xf32>
      scf.yield %add3A_874 : vector<16xf32>
    }
    %scan3A_770 = arith.constant 32 : i32
    %reduce_sum3A_771 = arith.constant true
    %reduce_sum3A_772 = vector.broadcast %reduce_sum3A_771 : i1 to vector<16xi1>
    %reduce_sum3A_773 = tpu.scan <sum>, %scan3A_769 masked %reduce_sum3A_772 : vector<16xf32>, vector<16xi1> -> vector<16xf32>
    %reduce_sum3A_774 = vector.extract %reduce_sum3A_773[15] : f32 from vector<16xf32>
    %broadcast_in_dim3A_775 = vector.broadcast %reduce_sum3A_774 : f32 to vector<16xf32>
    %swap3A_776 = arith.constant 0 : index
    %swap3A_777 = tpu.vector_load %arg13[%swap3A_776] {strides = array<i32>} : memref<16xf32, #tpu.memory_space<vmem>>, vector<16xf32>,
    tpu.vector_store %arg13[%swap3A_776], %broadcast_in_dim3A_775 {strides = array<i32>} : memref<16xf32, #tpu.memory_space<vmem>>, vector<16xf32>,
    "tpu.region"() ({
      %run_scoped3A = tpu.sem_alloc : memref<!tpu.dma_semaphore, #tpu.memory_space<semaphore_mem>>
      %dma_start3A_806 = arith.constant 0 : i32
      %dma_start3A_807 = tpu.memref_slice %arg18[%dma_start3A_806] : memref<16xf32, #tpu.memory_space<vmem_shared>> -> memref<16xf32, #tpu.memory_space<vmem_shared>>
      tpu.enqueue_indirect_dma source(%arg13 : memref<16xf32, #tpu.memory_space<vmem>>) target(%dma_start3A_807 : memref<16xf32, #tpu.memory_space<vmem_shared>>) offsets(%arg12 : memref<16xi32, #tpu.memory_space<vmem>>) semaphore(%run_scoped3A : memref<!tpu.dma_semaphore, #tpu.memory_space<semaphore_mem>>) {add = true}
      %dma_wait3A_808 = arith.constant 0 : i32
      %dma_wait3A_809 = tpu.memref_slice %arg18[%dma_wait3A_808] : memref<16xf32, #tpu.memory_space<vmem_shared>> -> memref<16xf32, #tpu.memory_space<vmem_shared>>
      tpu.wait_indirect_dma semaphore(%run_scoped3A : memref<!tpu.dma_semaphore, #tpu.memory_space<semaphore_mem>>) src(%arg13 : memref<16xf32, #tpu.memory_space<vmem>>) dst(%dma_wait3A_809 : memref<16xf32, #tpu.memory_space<vmem_shared>>)
      tpu.yield
    }) : () -> ()
    %barrier3A_778 = arith.constant 0 : index
    tpu.barrier barrier_id(%barrier3A_778)
    "tpu.region"() ({
      %run_scoped3A = tpu.sem_alloc : memref<!tpu.dma_semaphore, #tpu.memory_space<semaphore_mem>>
      tpu.enqueue_dma source(%arg18 : memref<16xf32, #tpu.memory_space<vmem_shared>>) target(%arg14 : memref<16xf32, #tpu.memory_space<vmem>>) target_semaphore(%run_scoped3A : memref<!tpu.dma_semaphore, #tpu.memory_space<semaphore_mem>>)
      tpu.wait_dma2 semaphore(%run_scoped3A : memref<!tpu.dma_semaphore, #tpu.memory_space<semaphore_mem>>) src(%arg18 : memref<16xf32, #tpu.memory_space<vmem_shared>>) dst(%arg14 : memref<16xf32, #tpu.memory_space<vmem>>)
      tpu.yield
    }) : () -> ()
    %get3A_779 = arith.constant 0 : index
    %get3A_780 = tpu.vector_load %arg14[%get3A_779] {strides = array<i32>} : memref<16xf32, #tpu.memory_space<vmem>>, vector<16xf32>,
    %broadcast_in_dim3A_781 = vector.broadcast %or3A_761 : i32 to vector<16xi32>
    %xor3A_782 = arith.constant -2147483648 : i32
    %xor3A_783 = vector.broadcast %xor3A_782 : i32 to vector<16xi32>
    %xor3A_784 = arith.xori %broadcast_in_dim3A_781, %xor3A_783 : vector<16xi32>
    %ge3A_785 = arith.constant 0 : i32
    %ge3A_786 = vector.broadcast %ge3A_785 : i32 to vector<16xi32>
    %ge3A_787 = arith.cmpi sge, %xor3A_784, %ge3A_786 : vector<16xi32>
    %xor3A_788 = arith.constant 2147483647 : i32
    %xor3A_789 = vector.broadcast %xor3A_788 : i32 to vector<16xi32>
    %xor3A_790 = arith.xori %xor3A_784, %xor3A_789 : vector<16xi32>
    %select_n3A_791 = arith.select %ge3A_787, %xor3A_784, %xor3A_790 : vector<16xi1>, vector<16xi32>
    %bitcast3A = vector.bitcast %select_n3A_791 : vector<16xi32> to vector<16xf32>
    %broadcast_in_dim3A_792 = vector.broadcast %add3A_758 : i32 to vector<16xi32>
    %convert_element_type3A_793 = arith.sitofp %broadcast_in_dim3A_792 : vector<16xi32> to vector<16xf32>
    %mul3A_794 = arith.mulf %convert_element_type3A_793, %bitcast3A : vector<16xf32>
    %add3A_795 = arith.addf %get3A_780, %mul3A_794 : vector<16xf32>
    %mul3A_796 = arith.constant 1.22070313E-4 : f32
    %mul3A_797 = vector.broadcast %mul3A_796 : f32 to vector<16xf32>
    %mul3A_798 = arith.mulf %add3A_795, %mul3A_797 : vector<16xf32>
    %eq3A_799 = arith.constant 0 : i32
    %eq3A_800 = arith.cmpi eq, %arg0, %eq3A_799 : i32
    %eq3A_801 = arith.constant 0 : i32
    %eq3A_802 = arith.cmpi eq, %arg1, %eq3A_801 : i32
    %and3A = arith.andi %eq3A_800, %eq3A_802 : i1
    %convert_element_type3A_803 = arith.extui %and3A : i1 to i32
    %cond3A_804 = arith.constant 0 : i32
    %cond3A_805 = arith.cmpi ne, %convert_element_type3A_803, %cond3A_804 : i32
    scf.if %cond3A_805 {
      %swap3A_806 = arith.constant 0 : index
      %swap3A_807 = tpu.vector_load %arg15[%swap3A_806] {strides = array<i32>} : memref<16xf32, #tpu.memory_space<vmem>>, vector<16xf32>,
      tpu.vector_store %arg15[%swap3A_806], %mul3A_798 {strides = array<i32>} : memref<16xf32, #tpu.memory_space<vmem>>, vector<16xf32>,
      "tpu.region"() ({
        %run_scoped3A = tpu.sem_alloc : memref<!tpu.dma_semaphore, #tpu.memory_space<semaphore_mem>>
        %dma_start3A_808 = arith.constant 0 : i32
        %dma_start3A_809 = tpu.memref_slice %arg15[%dma_start3A_808] : memref<16xf32, #tpu.memory_space<vmem>> -> memref<1xf32, #tpu.memory_space<vmem>>
        %dma_start3A_810 = arith.constant 0 : i32
        %dma_start3A_811 = tpu.memref_slice %arg15[%dma_start3A_810] : memref<16xf32, #tpu.memory_space<vmem>> -> memref<1xf32, #tpu.memory_space<vmem>>
        tpu.enqueue_dma source(%dma_start3A_811 : memref<1xf32, #tpu.memory_space<vmem>>) target(%arg3 : memref<1xf32, #tpu.memory_space<hbm>>) target_semaphore(%run_scoped3A : memref<!tpu.dma_semaphore, #tpu.memory_space<semaphore_mem>>)
        %dma_wait3A_812 = arith.constant 0 : i32
        %dma_wait3A_813 = tpu.memref_slice %arg15[%dma_wait3A_812] : memref<16xf32, #tpu.memory_space<vmem>> -> memref<1xf32, #tpu.memory_space<vmem>>
        %dma_wait3A_814 = arith.constant 0 : i32
        %dma_wait3A_815 = tpu.memref_slice %arg15[%dma_wait3A_814] : memref<16xf32, #tpu.memory_space<vmem>> -> memref<1xf32, #tpu.memory_space<vmem>>
        tpu.wait_dma2 semaphore(%run_scoped3A : memref<!tpu.dma_semaphore, #tpu.memory_space<semaphore_mem>>) src(%dma_wait3A_815 : memref<1xf32, #tpu.memory_space<vmem>>) dst(%arg3 : memref<1xf32, #tpu.memory_space<hbm>>)
        tpu.yield
      }) : () -> ()
    } else {
    }
    return
  }
}

</mosaic_0001>

<sc_bundles>
// kernel: kernel.3.cloned.1.call-start
scs
__scs_entry_jumppad:
0x0: {  	(pc) =	sbr.rel $0x88, $3  }
0x1: {  	(tag) =	ssettag $0x0;
	lr =	simm.s32 $0x1  }
0x2: {  	[smem:$0x3FA0] =	sst lr;
	_ =	strace $0xD0000000  }
0x3: {  	_ = 	snop  }
0x4: {  	_ = 	snop  }
0x5: {  	_ = 	snop  }
0x6: {  	_ = 	snop  }
0x7: {  	_ = 	snop  }
__scs_overlays_trampoline_lowered:
0x8: {  	[smem:$0x3FAF] =	sst s0  }
0x9: {  	[smem:$0x3FB0] =	sst s1  }
0xa: {  	[smem:$0x3FB1] =	sst s2  }
0xb: {  	[smem:$0x3FB2] =	sst s3  }
0xc: {  	[smem:$0x3FB3] =	sst s4  }
0xd: {  	[smem:$0x3FB4] =	sst s5  }
0xe: {  	[smem:$0x3FB5] =	sst s6  }
0xf: {  	[smem:$0x3FB6] =	sst s7  }
0x10: {  	[smem:$0x3FB7] =	sst s8  }
0x11: {  	[smem:$0x3FB8] =	sst s9;
	s0 =	simm.s32 @!p0 $0x0  }
0x12: {  	s1 =	sld [smem:$0x3F9E];
	s0 =	simm.s32 @p0 $0x1  }
0x13: {  	[smem:$0x3FB9] =	sst s0;
	s0 =	simm.s32 @!p1 $0x0  }
0x14: {  	s2 =	sld [smem:$0x3F9D];
	s0 =	simm.s32 @p1 $0x1  }
0x15: {  	[smem:$0x3FBA] =	sst s0;
	s0 =	simm.s32 @!p2 $0x0  }
0x16: {  	s3 =	sld [smem:$0x3FDB];
	s0 =	simm.s32 @p2 $0x1  }
0x17: {  	s4 =	simm.s32 $0x1BF5;
	[smem:$0x3FBC] =	sst s0  }
0x18: {  	s0 =	sld [smem:$0x3F9F];
	_ =	swait.ge [sflag:s4], $0x0  }
0x19: {  	s7 =	sld [smem:$0x3FA0]  }
0x1a: {  	s8 =	sadd.s32 $0xFFFFE003, lr  }
0x1b: {  	s9 =	sadd.s32 $0xFFFFFEF7, lr;
	s5 =	simm.s32 $0xFFFFFFFF;
	p2 =	slt.u32 s8, $0xFFFFF086  }
0x1c: {  	p1 =	slt.u32 s9, $0xF7A;
	s5 =	simm.s32 @!p2 $0x0  }
0x1d: {  	s5 =	simm.s32 @p1 $0x1;
	p0 =	seq.s32 s7, s2  }
0x1e: {  	s7 =	smul.u32 @!p0 $0xF7A, s2;
	p2 =	seq.s32 @!p0 s5, $0x0  }
0x1f: {  	s9 =	smul.u32 $0xF7A, s1;
	s8 =	simm.s32 @!p0 $0x1BF5;
	p2 =	por !p2, p0  }
0x20: {  	[sflag:s8] =	ssyncset.s32 @!p0 $0xFFFFF086;
	s6 =	sadd.s32 @!p0 s3, s7;
	s7 =	simm.s32 @!p0 $0x108  }
0x21: {  	s3 =	sadd.s32 s3, s9;
	s6 =	sadd.s32 @!p0 $0x88, s6;
	s7 =	simm.s32 @p2 $0x1082  }
0x22: {  	[simem:s7], [sflag:s8] =	dma.local @!p0 [hbm:s6], $0xF7A  }
0x23: {  	s9 =	sor.u32 $0xD0000000, s2;
	s6 =	simm.s32 $0x108;
	_ =	swait.ge @!p0 [sflag:s8], $0x0  }
0x24: {  	s3 =	sadd.s32 $0x88, s3;
	s6 =	simm.s32 @!p1 $0x1082;
	[sflag:s4] =	ssyncset.s32 $0xFFFFF086  }
0x25: {  	[simem:s6], [sflag:s4] =	dma.local [hbm:s3], $0xF7A  }
0x26: {  	[smem:$0x3FA0] =	sst s1;
	(tag) =	ssettag s2;
	_ =	strace s9  }
0x27: {  	s1 =	sld [smem:$0x3FB0]  }
0x28: {  	s2 =	sld [smem:$0x3FB1]  }
0x29: {  	s4 =	sld [smem:$0x3FB3]  }
0x2a: {  	p0 =	seq.s32 s5, $0x0;
	s5 =	sld [smem:$0x3FB4]  }
0x2b: {  	s6 =	sld [smem:$0x3FB5]  }
0x2c: {  	s7 =	sld [smem:$0x3FB6]  }
0x2d: {  	s3 =	simm.s32 $0x108;
	s8 =	sld [smem:$0x3FB7]  }
0x2e: {  	s3 =	simm.s32 @!p0 $0x1082;
	s9 =	sld [smem:$0x3FB8]  }
0x2f: {  	lr =	sadd.s32 s0, s3;
	s0 =	sld [smem:$0x3FAF]  }
0x30: {  	s3 =	sld [smem:$0x3FB2]  }
0x31: {  	[smem:$0x3FBB] =	sst s10  }
0x32: {  	s10 =	sld [smem:$0x3FB9];
	_ =	sdelay $0x3  }
0x33: {  	p0 =	seq.s32 s10, $0x1;
	s10 =	sld [smem:$0x3FBB];
	_ =	sdelay $0x3  }
0x34: {  	[smem:$0x3FBB] =	sst s10  }
0x35: {  	s10 =	sld [smem:$0x3FBA];
	_ =	sdelay $0x3  }
0x36: {  	p1 =	seq.s32 s10, $0x1;
	s10 =	sld [smem:$0x3FBB];
	_ =	sdelay $0x3  }
0x37: {  	[smem:$0x3FBB] =	sst s10  }
0x38: {  	s10 =	sld [smem:$0x3FBC]  }
0x39: {  	_ = 	snop;
	(pc) =	sbr.ind lr, $3  }
0x3a: {  	_ = 	snop  }
0x3b: {  	_ = 	snop  }
0x3c: {  	p2 =	seq.s32 s10, $0x1;
	s10 =	sld [smem:$0x3FBB]  }
0x3d: {  	_ =	shalt  }
0x3e: {  	_ =	shalt  }
0x3f: {  	_ =	shalt  }
0x40: {  	_ =	shalt  }
0x41: {  	_ =	shalt  }
0x42: {  	_ =	shalt  }
0x43: {  	_ =	shalt  }
0x44: {  	_ =	shalt  }
0x45: {  	_ =	shalt  }
0x46: {  	_ =	shalt  }
0x47: {  	_ =	shalt  }
0x48: {  	_ =	shalt  }
0x49: {  	_ =	shalt  }
0x4a: {  	_ =	shalt  }
0x4b: {  	_ =	shalt  }
0x4c: {  	_ =	shalt  }
0x4d: {  	_ =	shalt  }
0x4e: {  	_ =	shalt  }
0x4f: {  	_ =	shalt  }
0x50: {  	_ =	shalt  }
0x51: {  	_ =	shalt  }
0x52: {  	_ =	shalt  }
0x53: {  	_ =	shalt  }
0x54: {  	_ =	shalt  }
0x55: {  	_ =	shalt  }
0x56: {  	_ =	shalt  }
0x57: {  	_ =	shalt  }
0x58: {  	_ =	shalt  }
0x59: {  	_ =	shalt  }
0x5a: {  	_ =	shalt  }
0x5b: {  	_ =	shalt  }
0x5c: {  	_ =	shalt  }
0x5d: {  	_ =	shalt  }
0x5e: {  	_ =	shalt  }
0x5f: {  	_ =	shalt  }
0x60: {  	_ =	shalt  }
0x61: {  	_ =	shalt  }
0x62: {  	_ =	shalt  }
0x63: {  	_ =	shalt  }
0x64: {  	_ =	shalt  }
0x65: {  	_ =	shalt  }
0x66: {  	_ =	shalt  }
0x67: {  	_ =	shalt  }
0x68: {  	_ =	shalt  }
0x69: {  	_ =	shalt  }
0x6a: {  	_ =	shalt  }
0x6b: {  	_ =	shalt  }
0x6c: {  	_ =	shalt  }
0x6d: {  	_ =	shalt  }
0x6e: {  	_ =	shalt  }
0x6f: {  	_ =	shalt  }
0x70: {  	_ =	shalt  }
0x71: {  	_ =	shalt  }
0x72: {  	_ =	shalt  }
0x73: {  	_ =	shalt  }
0x74: {  	_ =	shalt  }
0x75: {  	_ =	shalt  }
0x76: {  	_ =	shalt  }
0x77: {  	_ =	shalt  }
0x78: {  	_ =	shalt  }
0x79: {  	_ =	shalt  }
0x7a: {  	_ =	shalt  }
0x7b: {  	_ =	shalt  }
0x7c: {  	_ =	shalt  }
0x7d: {  	_ =	shalt  }
0x7e: {  	_ =	shalt  }
0x7f: {  	_ =	shalt  }
0x80: {  	_ =	shalt  }
0x81: {  	_ =	shalt  }
0x82: {  	_ =	shalt  }
0x83: {  	_ =	shalt  }
0x84: {  	_ =	shalt  }
0x85: {  	_ =	shalt  }
0x86: {  	_ =	shalt  }
0x87: {  	_ =	shalt  }
.Lfunc_end0:
.L_simem_size_0:
called_computation_lowered:
.L_overlay_start_0:
0x88: {  	s0 =	sld [smem:$0x3FD9]  }
0x89: {  	s1 =	sld [smem:$0x3FFE];
	_ =	sdelay $0x3  }
0x8a: {  	s0 =	sadd.s32 s1, s0  }
0x8b: {  	[smem:$0x3FC7] =	sst s0  }
0x8c: {  	_ = 	snop  }
0x8d: {  	s0 =	sld [smem:$0x3FC9]  }
0x8e: {  	s17 =	sld [smem:$0x3FD0];
	(tm) =	ssettm $0x1  }
0x8f: {  	s2 =	sld [smem:$0x3FFB];
	_ =	sdelay $0x3  }
0x90: {  	_ =	strace s2  }
0x91: {  	s2 =	sld [smem:$0x3FFC];
	_ =	sdelay $0x3  }
0x92: {  	_ =	strace s2  }
0x93: {  	s2 =	sld [smem:$0x3FFD];
	_ =	sdelay $0x3  }
0x94: {  	_ =	strace s2  }
0x95: {  	_ =	strace $0x8FFFFFFF  }
0x96: {  	s18 =	sld [smem:$0x3FDB];
	_ =	sdelay $0x1  }
0x97: {  	s3 =	simm.s32 $_scs_section_size  }
0x98: {  	s4 =	simm.s32 $_size__tile_overlayer_lowered;
	s5 =	simm.s32 $_tile_overlayer_lowered  }
0x99: {  	s21 =	simm.s32 $0x1BFF;
	s20 =	sshll.u32 s5, $0x1;
	s2 =	sadd.s32 s3, s18  }
0x9a: {  	s6 =	simm.s32 $0x0;
	s19 =	sshll.u32 s4, $0x1;
	s4 =	sadd.s32 s20, s2  }
0x9b: {  	[timem:s6], [sflag:s21] =	dma.local [hbm:s4], s19  }
0x9c: {  	_ =	swait.ge [sflag:s21], s19  }
0x9d: {  	s3 =	ssub.s32 $0x0, s19;
	[sflag:s21] =	ssyncset.done $0x0  }
0x9e: {  	[sflag:s21] =	ssyncadd.s32 s3;
	_ =	sdelay $0x1  }
0x9f: {  	s22 =	simm.s32 $0x1B8B  }
0xa0: {  	_ =	swait.ge [sflag:s22], $0x1  }
0xa1: {  	[sflag:s22] =	ssyncset.done $0x0  }
0xa2: {  	s23 =	simm.s32 $0x1B8E;
	[sflag:s22] =	ssyncadd.s32 $0xFFFFFFFF  }
0xa3: {  	s24 =	simm.s32 $execute0_lowered;
	[smem:$0x3FD2] =	sst s23  }
0xa4: {  	s3 =	sshll.u32 s24, $0x1;
	_ =	strace $0x80000046;
	[dreg:$0x1] =	wrdreg $0xFFFFFFFF  }
0xa5: {  	s25 =	simm.s32 $_size_execute0_lowered;
	s2 =	sadd.s32 s2, s3;
	[dreg:$0x0] =	wrdreg $0x0  }
0xa6: {  	s3 =	sshll.u32 s25, $0x1;
	[dreg:$0x2] =	wrdreg s2  }
0xa7: {  	[dreg:$0x3] =	wrdreg s3  }
0xa8: {  	[dreg:$0x4] =	wrdreg $0xC0  }
0xa9: {  	_ =	task [dreg:s6], $0x5FFFF  }
0xaa: {  	[dreg:$0x1] =	wrdreg $0xFFFFFFFF  }
0xab: {  	[dreg:$0x0] =	wrdreg $0x60  }
0xac: {  	[dreg:$0x2] =	wrdreg s0  }
0xad: {  	[dreg:$0x3] =	wrdreg s17  }
0xae: {  	[dreg:$0x4] =	wrdreg $0x18000  }
0xaf: {  	[dreg:$0x5] =	wrdreg $0x18400  }
0xb0: {  	[dreg:$0x6] =	wrdreg $0x9  }
0xb1: {  	_ =	task.clear_ibuf [dreg:s6], $0x7FFFF;
	_ =	strace $0x90000046  }
0xb2: {  	s26 =	simm.s32 $0x9;
	_ =	strace $0x80000048  }
0xb3: {  	_ =	swait.ge [sflag:s26], $0x1  }
0xb4: {  	[sflag:s26] =	ssyncadd.s32 $0xFFFFFFFF  }
0xb5: {  	_ =	strace $0x90000048  }
0xb6: {  	_ =	sfence  }
0xb7: {  	s28 =	sld [smem:$0x0];
	_ =	sdelay $0x1  }
0xb8: {  	s29 =	srdreg.scid  }
0xb9: {  	s30 =	sshll.u32 s29, $0xD;
	s31 =	sshrl.u32 s29, $0x2  }
0xba: {  	s1 =	sand.u32 $0x1, s29;
	s2 =	sand.u32 $0x4000, s30;
	s0 =	sadd.s32 s31, s28  }
0xbb: {  	s1 =	sor.u32 s2, s1;
	s0 =	sshll.u32 s0, $0x11  }
0xbc: {  	s0 =	sor.u32 s0, s1  }
0xbd: {  	s0 =	sadd.s32 $0x8F2B, s0  }
0xbe: {  	[sflag:s0] =	ssyncadd.remote.s32 $0x1  }
0xbf: {  	_ =	sfence.sel $0xFFFF  }
0xc0: {  	[dreg:$0x0] =	wrdreg $0xFFFFFFFF;
	(pc) =	sbr.abs _section_cstart, $3  }
0xc1: {  	[dreg:$0x1] =	wrdreg $0xFFFFFFFF  }
0xc2: {  	_ =	task.clear_ibuf [dreg:s6], $0x2FFFF;
	_ =	strace $0x9FFFFFFF  }
0xc3: {  	(tm) =	ssettm $0x7FFFFFFF  }
tec
execute0_lowered:
.L_overlay_start_1:
0x0: {  	(tag) =	ssettag $0x1  }
0x1: {  	s5 =	rddreg [dreg:$0x0]  }
0x2: {  	s1 =	rddreg [dreg:$0x1]  }
0x3: {  	s4 =	rddreg [dreg:$0x2]  }
0x4: {  	s2 =	rddreg [dreg:$0x3];
	s8 =	simm.s32 $0x0;
	s3 =	stileid.u32  }
0x5: {  	[smem:$0x7FF] =	sst s8;
	s6 =	sshll.u32 s3, $0x8  }
0x6: {  	s0 =	rddreg [dreg:$0x4];
	_ =	strace $0x80000047;
	s5 =	sadd.s32 s5, s6  }
0x7: {  	[tilespmem:s8], [sflag:$0x1] =	stream.linear.gather [hbm4b:s5+s8], $0x400, $0x38;
	[tilespmem:$0x1848] =	vst v63  }
0x8: {  	s31 =	simm.s32 $0x400;
	s5 =	sadd.s32 $0x80, s5  }
0x9: {  	v0 =	vlaneseq.u32;
	[tilespmem:s31], [sflag:$0x2] =	stream.linear.gather [hbm4b:s5+s8], $0x400, $0x38;
	[tilespmem:$0x1848] =	vst v63  }
0xa: {  	v1 =	vor.u32 $0x100, v0;
	v3 =	vor.u32 s8, v0;
	s5 =	simm.s32 $0x1200  }
0xb: {  	v2 =	vor.u32 $0x200, v0;
	s6 =	simm.s32 $0x1300;
	v4 =	vor.u32 s8, v1;
	[tilespmem:s5+$0x0] =	vst v3  }
0xc: {  	s7 =	simm.s32 $0x1400;
	v3 =	vor.u32 $0x300, v0;
	[tilespmem:s6+$0x0] =	vst v4;
	v4 =	vor.u32 s8, v2  }
0xd: {  	s9 =	simm.s32 $0x1500;
	v5 =	vor.u32 s8, v3;
	[tilespmem:s7+$0x0] =	vst v4  }
0xe: {  	s10 =	simm.s32 $0x10;
	s8 =	simm.s32 $0x1100;
	v4 =	vimm.s32 $0x0;
	[tilespmem:s9+$0x0] =	vst v5  }
.LBB2_1:
0xf: {  	v5 =	vor.u32 s10, v0;
	[tilespmem:s8+$0x0] =	vst v4;
	s5 =	sadd.s32 $0x10, s5;
	p0 =	sne.s32 s10, $0xF0  }
.Ltmp0:
0x10: {  	[tilespmem:s5+$0x0] =	vst v5;
	(pc) =	sbr.rel @p0 .LBB2_1-.Ltmp0, $4  }
0x11: {  	s6 =	sadd.s32 $0x10, s6;
	v5 =	vor.u32 s10, v1  }
0x12: {  	s7 =	sadd.s32 $0x10, s7;
	[tilespmem:s6+$0x0] =	vst v5;
	v5 =	vor.u32 s10, v2  }
0x13: {  	s9 =	sadd.s32 $0x10, s9;
	[tilespmem:s7+$0x0] =	vst v5;
	v5 =	vor.u32 s10, v3  }
0x14: {  	s8 =	sadd.s32 $0x10, s8;
	s10 =	sadd.s32 $0x10, s10;
	[tilespmem:s9+$0x0] =	vst v5  }
0x15: {  	p0 =	sgt.u32 s3, $0x3  }
0x16: {  	p1 =	sne.s32 @p0 s3, $0x4  }
0x17: {  	[tilespmem:s8+$0x0] =	vst v4;
	v0 =	vlaneseq.u32;
	p1 =	por p1, !p0  }
0x18: {  	[tilespmem:$0x1600] =	vst v0;
	v0 =	vimm.f32 @!p1 $0.0e+00  }
0x19: {  	s5 =	simm.s32 @!p1 $0x1680;
	[tilespmem:$0x1680] =	vst @!p1 v0  }
0x1a: {  	[spmem:s2] =	stream.linear.scatter @!p1 [tilespmem:s5], [sflag:$0x3], $0x80, $0x38;
	[tilespmem:$0x1848] =	vst v63  }
0x1b: {  	s5 =	simm.s32 @!p1 $0x3  }
0x1c: {  	_ =	swait.ge @!p1 [sflag:s5], $0x80  }
0x1d: {  	s6 =	sshll.u32 @!p0 s3, $0x8;
	[sflag:s5] =	ssyncset.done @!p1 $0x0  }
0x1e: {  	[sflag:s5] =	ssyncadd.s32 @!p1 $0xFFFFFF80;
	s5 =	sadd.s32 @!p0 s6, s4;
	s6 =	simm.s32 @!p0 $0x1100  }
0x1f: {  	[spmem:s5] =	stream.linear.scatter @!p0 [tilespmem:s6], [sflag:$0x3], $0x100, $0x38;
	[tilespmem:$0x1848] =	vst v63  }
0x20: {  	s5 =	simm.s32 @!p0 $0x3  }
0x21: {  	_ =	swait.ge @!p0 [sflag:s5], $0x100  }
0x22: {  	[sflag:s5] =	ssyncset.done @!p0 $0x0  }
0x23: {  	v0 =	vimm.s32 $0x0;
	[sflag:s5] =	ssyncadd.s32 @!p0 $0xFFFFFF00  }
0x24: {  	[tilespmem:$0x1000] =	vst v0  }
0x25: {  	[tilespmem:$0x1010] =	vst v0  }
0x26: {  	[tilespmem:$0x1020] =	vst v0  }
0x27: {  	[tilespmem:$0x1030] =	vst v0  }
0x28: {  	[tilespmem:$0x1040] =	vst v0  }
0x29: {  	[tilespmem:$0x1050] =	vst v0  }
0x2a: {  	[tilespmem:$0x1060] =	vst v0  }
0x2b: {  	[tilespmem:$0x1070] =	vst v0  }
0x2c: {  	[tilespmem:$0x1080] =	vst v0  }
0x2d: {  	[tilespmem:$0x1090] =	vst v0  }
0x2e: {  	[tilespmem:$0x10A0] =	vst v0  }
0x2f: {  	[tilespmem:$0x10B0] =	vst v0  }
0x30: {  	[tilespmem:$0x10C0] =	vst v0  }
0x31: {  	[tilespmem:$0x10D0] =	vst v0  }
0x32: {  	[tilespmem:$0x10E0] =	vst v0  }
0x33: {  	s31 =	simm.s32 $0x1;
	[tilespmem:$0x10F0] =	vst v0  }
0x34: {  	s7 =	sadd.s32 $0x100, s4;
	_ =	swait.ge [sflag:s31], $0x400  }
0x35: {  	s8 =	simm.s32 $0x0;
	s9 =	simm.s32 $0x1000;
	[sflag:s31] =	ssyncset.done $0x0  }
0x36: {  	v1 =	vimm.s32 $0x1;
	s6 =	sadd.s32 $0x200, s4;
	s5 =	sadd.s32 $0x300, s4;
	v0 =	vimm.s32 $0x80;
	[sflag:s31] =	ssyncadd.s32 $0xFFFFFC00  }
.LBB2_3:
0x37: {  	s10 =	sshra.s32 s8, $0x2  }
0x38: {  	v2 =	vld [tilespmem:s10+$0x0];
	_ =	sdelay $0x4  }
0x39: {  	v3 =	vxor.u32 $0x7FFFFFFF, v2;
	vm0 =	vlt.s32 v2, $0x0  }
0x3a: {  	v2 =	vsel vm0, v3, v2  }
0x3b: {  	v3 =	vshrl.u32 v2, $0x18;
	vm0 =	vlt.s32 v2, $0x0  }
0x3c: {  	v3 =	vand.u32 $0x7F, v3;
	v4 =	vsel vm0, $0x0, v0  }
0x3d: {  	v3 =	vor.u32 v3, v4;
	_ =	sdelay $0x2  }
0x3e: {  	v2 =	vxor.u32 $0x80000000, v2  }
0x3f: {  	[tilespmem:s10+$0x800] =	vst v2  }
0x40: {  	[tilespmem:v3+s9+$0x0] =	vst.idx.add.s32.msk $0xffff, v1  }
0x41: {  	v2 =	vld [tilespmem:s10+$0x10];
	_ =	sdelay $0x4  }
0x42: {  	v3 =	vxor.u32 $0x7FFFFFFF, v2;
	vm15 =	vlt.s32 v2, $0x0  }
0x43: {  	v2 =	vsel vm15, v3, v2  }
0x44: {  	v3 =	vshrl.u32 v2, $0x18;
	vm0 =	vlt.s32 v2, $0x0  }
0x45: {  	v3 =	vand.u32 $0x7F, v3;
	v63 =	vsel vm0, $0x0, v0  }
0x46: {  	p0 =	sne.s32 s8, $0xF80;
	v3 =	vor.u32 v3, v63  }
.Ltmp1:
0x47: {  	_ = 	snop;
	(pc) =	sbr.rel @p0 .LBB2_3-.Ltmp1, $4  }
0x48: {  	_ = 	snop  }
0x49: {  	v2 =	vxor.u32 $0x80000000, v2  }
0x4a: {  	[tilespmem:s10+$0x810] =	vst v2  }
0x4b: {  	s8 =	sadd.s32 $0x80, s8;
	[tilespmem:v3+s9+$0x0] =	vst.idx.add.s32.msk $0xffff, v1  }
0x4c: {  	s8 =	simm.s32 $0x2  }
0x4d: {  	_ =	swait.ge [sflag:s8], $0x400  }
0x4e: {  	[sflag:s8] =	ssyncset.done $0x0  }
0x4f: {  	v0 =	vimm.s32 $0x80;
	v1 =	vimm.s32 $0x1;
	s9 =	simm.s32 $0x1000;
	[sflag:s8] =	ssyncadd.s32 $0xFFFFFC00;
	s8 =	simm.s32 $0x0  }
.LBB2_5:
0x50: {  	s10 =	sshra.s32 s8, $0x2  }
0x51: {  	v2 =	vld [tilespmem:s10+$0x400];
	_ =	sdelay $0x4  }
0x52: {  	v3 =	vxor.u32 $0x7FFFFFFF, v2;
	vm0 =	vlt.s32 v2, $0x0  }
0x53: {  	v2 =	vsel vm0, v3, v2  }
0x54: {  	v3 =	vshrl.u32 v2, $0x18;
	vm0 =	vlt.s32 v2, $0x0  }
0x55: {  	v3 =	vand.u32 $0x7F, v3;
	v4 =	vsel vm0, $0x0, v0  }
0x56: {  	v3 =	vor.u32 v3, v4;
	_ =	sdelay $0x2  }
0x57: {  	v2 =	vxor.u32 $0x80000000, v2  }
0x58: {  	[tilespmem:s10+$0xC00] =	vst v2  }
0x59: {  	[tilespmem:v3+s9+$0x0] =	vst.idx.add.s32.msk $0xffff, v1  }
0x5a: {  	v2 =	vld [tilespmem:s10+$0x410];
	_ =	sdelay $0x4  }
0x5b: {  	v3 =	vxor.u32 $0x7FFFFFFF, v2;
	vm15 =	vlt.s32 v2, $0x0  }
0x5c: {  	v2 =	vsel vm15, v3, v2  }
0x5d: {  	v3 =	vshrl.u32 v2, $0x18;
	vm0 =	vlt.s32 v2, $0x0  }
0x5e: {  	v3 =	vand.u32 $0x7F, v3;
	v63 =	vsel vm0, $0x0, v0  }
0x5f: {  	p0 =	sne.s32 s8, $0xF80;
	v3 =	vor.u32 v3, v63  }
.Ltmp2:
0x60: {  	_ = 	snop;
	(pc) =	sbr.rel @p0 .LBB2_5-.Ltmp2, $4  }
0x61: {  	_ = 	snop  }
0x62: {  	v2 =	vxor.u32 $0x80000000, v2  }
0x63: {  	[tilespmem:s10+$0xC10] =	vst v2  }
0x64: {  	s8 =	sadd.s32 $0x80, s8;
	[tilespmem:v3+s9+$0x0] =	vst.idx.add.s32.msk $0xffff, v1  }
0x65: {  	[bflag:$0x0] =	sbarrier.arrive $0xFFFF;
	s9 =	simm.s32 $0x100  }
0x66: {  	s10 =	simm.s32 $0x1200;
	s8 =	simm.s32 $0x1000;
	s26 =	simm.s32 $0x3  }
0x67: {  	[spmem:s4] =	stream.indirect.scatter.add.s32 [tilespmem:s8], [sflag:$0x3], $0x1, s10, s9, $0xb8;
	[tilespmem:$0x1848] =	vst v63  }
0x68: {  	_ =	swait.ge [sflag:s26], $0x100  }
0x69: {  	v0 =	vlaneseq.u32;
	[sflag:s26] =	ssyncset.done $0x0  }
0x6a: {  	v1 =	vmul.u32 $0x10, v0;
	[sflag:s26] =	ssyncadd.s32 $0xFFFFFF00  }
0x6b: {  	s28 =	simm.s32 $0x1100;
	[bflag:$0x0] =	sbarrier.arrive $0xFFFF  }
0x6c: {  	v2 =	vor.u32 $0x1, v1;
	[tilespmem:s28], [sflag:$0x3] =	stream.linear.gather [spmem:s4], $0x100, $0x38;
	[tilespmem:$0x1848] =	vst v63  }
0x6d: {  	v3 =	vor.u32 $0x2, v1;
	_ =	swait.ge [sflag:s26], $0x100  }
0x6e: {  	v4 =	vor.u32 $0x3, v1;
	[sflag:s26] =	ssyncset.done $0x0  }
0x6f: {  	v5 =	vor.u32 $0x4, v1;
	[sflag:s26] =	ssyncadd.s32 $0xFFFFFF00  }
0x70: {  	v7 =	vor.u32 $0x5, v1;
	v6 =	vld.idx.msk [tilespmem:v1+s28+$0x0], $0xffff  }
0x71: {  	v8 =	vor.u32 $0x6, v1;
	v2 =	vld.idx.msk [tilespmem:v2+s28+$0x0], $0xffff  }
0x72: {  	v9 =	vor.u32 $0x7, v1;
	v3 =	vld.idx.msk [tilespmem:v3+s28+$0x0], $0xffff  }
0x73: {  	v10 =	vor.u32 $0x8, v1;
	v4 =	vld.idx.msk [tilespmem:v4+s28+$0x0], $0xffff  }
0x74: {  	v11 =	vor.u32 $0x9, v1;
	v5 =	vld.idx.msk [tilespmem:v5+s28+$0x0], $0xffff  }
0x75: {  	v12 =	vor.u32 $0xA, v1;
	v7 =	vld.idx.msk [tilespmem:v7+s28+$0x0], $0xffff  }
0x76: {  	v60 =	vor.u32 $0xB, v1;
	v2 =	vadd.s32 v6, v2;
	v6 =	vld.idx.msk [tilespmem:v8+s28+$0x0], $0xffff  }
0x77: {  	v61 =	vor.u32 $0xC, v1;
	v2 =	vadd.s32 v3, v2;
	v3 =	vld.idx.msk [tilespmem:v9+s28+$0x0], $0xffff  }
0x78: {  	v62 =	vor.u32 $0xD, v1;
	v2 =	vadd.s32 v4, v2;
	v4 =	vld.idx.msk [tilespmem:v10+s28+$0x0], $0xffff  }
0x79: {  	v63 =	vor.u32 $0xE, v1;
	v2 =	vadd.s32 v5, v2;
	v5 =	vld.idx.msk [tilespmem:v11+s28+$0x0], $0xffff  }
0x7a: {  	v1 =	vor.u32 $0xF, v1;
	v2 =	vadd.s32 v7, v2;
	v7 =	vld.idx.msk [tilespmem:v12+s28+$0x0], $0xffff  }
0x7b: {  	v2 =	vadd.s32 v6, v2;
	v6 =	vld.idx.msk [tilespmem:v60+s28+$0x0], $0xffff  }
0x7c: {  	v2 =	vadd.s32 v3, v2;
	v3 =	vld.idx.msk [tilespmem:v61+s28+$0x0], $0xffff  }
0x7d: {  	v2 =	vadd.s32 v4, v2;
	v4 =	vld.idx.msk [tilespmem:v62+s28+$0x0], $0xffff  }
0x7e: {  	v2 =	vadd.s32 v5, v2;
	v5 =	vld.idx.msk [tilespmem:v63+s28+$0x0], $0xffff  }
0x7f: {  	v1 =	vld.idx.msk [tilespmem:v1+s28+$0x0], $0xffff;
	v2 =	vadd.s32 v7, v2  }
0x80: {  	v2 =	vadd.s32 v6, v2  }
0x81: {  	v2 =	vadd.s32 v3, v2  }
0x82: {  	v0 =	vmul.u32 $0xFFFFFFFF, v0;
	v2 =	vadd.s32 v4, v2  }
0x83: {  	v2 =	vadd.s32 v5, v2  }
0x84: {  	v1 =	vadd.s32 v1, v2;
	v2 =	vadd.s32 $0xF, v0  }
0x85: {  	v0 =	vperm.xlane v1, v2;
	_ =	sdelay $0x1  }
0x86: {  	(xrf0) =	vadd.scan.msk.s32 $0xffff, v0;
	_ =	sdelay $0x5  }
0x87: {  	v0, _, _ =	vpop (xrf0)  }
0x88: {  	v3 =	vperm.xlane v0, v2;
	_ =	sdelay $0x1  }
0x89: {  	v0 =	vimm.s32 $0x0;
	vm0 =	vgt.s32 v3, $0x1FFF  }
0x8a: {  	v1 =	vsel vm0, $0x1, v0  }
0x8b: {  	(xrf0) =	vadd.scan.msk.s32 $0xffff, v1;
	_ =	sdelay $0x5  }
0x8c: {  	v1, _, _ =	vpop (xrf0)  }
0x8d: {  	(v2sf) =	vpush v1, $0xF;
	_ =	sdelay $0xe  }
0x8e: {  	s29 =	spop (v2sf)  }
0x8f: {  	s9 =	sshll.u32 s29, $0x4  }
0x90: {  	v1 =	vld [tilespmem:s9+$0x10F0];
	_ =	sdelay $0x4  }
0x91: {  	v4 =	vperm.xlane v1, v2  }
0x92: {  	v3 =	vxor.u32 $0x80000000, v3  }
0x93: {  	v3 =	vnsel vm0, $0xFFFFFFFF, v3;
	(xrf0) =	vadd.scan.msk.s32 $0xffff, v4  }
0x94: {  	(xrf0) =	vmin.scan.msk.u32 $0xffff, v3  }
0x95: {  	(xrf0) =	vadd.scan.msk.s32 $0xffff, v1;
	_ =	sdelay $0x3  }
0x96: {  	v3, _, _ =	vpop (xrf0)  }
0x97: {  	v4, _, _ =	vpop (xrf0)  }
0x98: {  	(v2sf) =	vpush v4, $0xF;
	v4, _, _ =	vpop (xrf0)  }
0x99: {  	(v2sf) =	vpush v4, $0xF;
	_ =	sdelay $0xd  }
0x9a: {  	s30 =	spop (v2sf)  }
0x9b: {  	v2 =	vperm.xlane v3, v2;
	s10 =	sxor.u32 $0x80000000, s30;
	s11 =	spop (v2sf)  }
0x9c: {  	s11 =	ssub.s32 s10, s11  }
0x9d: {  	v2 =	vadd.s32 s11, v2  }
0x9e: {  	vm0 =	vgt.s32 v2, $0x1FFF  }
0x9f: {  	v2 =	vsel vm0, $0x1, v0  }
0xa0: {  	(xrf0) =	vadd.scan.msk.s32 $0xffff, v2;
	_ =	sdelay $0x3  }
0xa1: {  	[tilespmem:$0x1000] =	vst v0  }
0xa2: {  	[tilespmem:$0x1010] =	vst v0  }
0xa3: {  	[tilespmem:$0x1020] =	vst v0;
	v2, _, _ =	vpop (xrf0)  }
0xa4: {  	[tilespmem:$0x1030] =	vst v0;
	(v2sf) =	vpush v2, $0xF  }
0xa5: {  	[tilespmem:$0x1040] =	vst v0  }
0xa6: {  	[tilespmem:$0x1050] =	vst v0  }
0xa7: {  	[tilespmem:$0x1060] =	vst v0  }
0xa8: {  	[tilespmem:$0x1070] =	vst v0  }
0xa9: {  	[tilespmem:$0x1080] =	vst v0  }
0xaa: {  	[tilespmem:$0x1090] =	vst v0  }
0xab: {  	[tilespmem:$0x10A0] =	vst v0  }
0xac: {  	[tilespmem:$0x10B0] =	vst v0  }
0xad: {  	[tilespmem:$0x10C0] =	vst v0  }
0xae: {  	[tilespmem:$0x10D0] =	vst v0  }
0xaf: {  	[tilespmem:$0x10E0] =	vst v0  }
0xb0: {  	s31 =	simm.s32 $0x810;
	[tilespmem:$0x10F0] =	vst v0  }
0xb1: {  	v2 =	vld [tilespmem:s31+$0xFFFFFFF0];
	_ =	sdelay $0x1  }
0xb2: {  	s12 =	spop (v2sf)  }
0xb3: {  	s9 =	sadd.s32 s12, s9  }
0xb4: {  	s9 =	sadd.s32 $0xFFFFFFEF, s9  }
0xb5: {  	v4 =	vshrl.u32 v2, $0x18;
	v3 =	vmov s9  }
0xb6: {  	v2 =	vshrl.u32 v2, $0x10;
	vm1 =	veq.s32 v4, v3  }
0xb7: {  	v4 =	vand.u32 $0xFF, v2;
	_ =	sdelay $0x3  }
0xb8: {  	v2 =	vimm.s32 $0x1  }
0xb9: {  	[tilespmem:v4+s8+$0x0] =	vst.idx.add.s32.msk vm1, v2  }
0xba: {  	v4 =	vld [tilespmem:s31+$0x0];
	_ =	sdelay $0x4  }
0xbb: {  	v5 =	vshrl.u32 v4, $0x18  }
0xbc: {  	v4 =	vshrl.u32 v4, $0x10;
	vm2 =	veq.s32 v5, v3  }
0xbd: {  	v4 =	vand.u32 $0xFF, v4;
	vm1 =	vmor vm1, vm2  }
0xbe: {  	v5 =	vsel vm1, $0x1, v0  }
0xbf: {  	v5 =	vor.u32 $0x80000000, v5  }
0xc0: {  	(xrf0) =	vmax.scan.msk.u32 $0xffff, v5;
	_ =	sdelay $0x1  }
0xc1: {  	s12 =	simm.s32 $0x830;
	[tilespmem:v4+s8+$0x0] =	vst.idx.add.s32.msk vm2, v2  }
0xc2: {  	v4 =	vld [tilespmem:s12+$0xFFFFFFF0];
	_ =	sdelay $0x2  }
0xc3: {  	v5, _, _ =	vpop (xrf0)  }
0xc4: {  	(v2sf) =	vpush v5, $0xF  }
0xc5: {  	v5 =	vshrl.u32 v4, $0x18  }
0xc6: {  	v4 =	vshrl.u32 v4, $0x10;
	vm2 =	veq.s32 v5, v3  }
0xc7: {  	v4 =	vand.u32 $0xFF, v4;
	_ =	sdelay $0x4  }
0xc8: {  	[tilespmem:v4+s8+$0x0] =	vst.idx.add.s32.msk vm2, v2  }
0xc9: {  	v4 =	vld [tilespmem:s12+$0x0];
	_ =	sdelay $0x4  }
0xca: {  	v5 =	vshrl.u32 v4, $0x18  }
0xcb: {  	s13 =	simm.s32 $0x8;
	v4 =	vshrl.u32 v4, $0x10;
	vm1 =	veq.s32 v5, v3;
	s14 =	spop (v2sf)  }
0xcc: {  	s15 =	simm.s32 $0x0;
	s11 =	simm.s32 $0x4;
	v4 =	vand.u32 $0xFF, v4;
	vm2 =	vmor vm2, vm1;
	s14 =	sxor.u32 $0x80000000, s14  }
.LBB2_7:
0xcd: {  	p0 =	sne.s32 s13, $0xFC  }
0xce: {  	v5 =	vsel vm2, $0x1, v0;
	[smem:s15] =	sst s14;
	s16 =	smov.u32 s13;
	s13 =	sadd.s32 $0x4, s13  }
0xcf: {  	v5 =	vor.u32 $0x80000000, v5  }
0xd0: {  	(xrf0) =	vmax.scan.msk.u32 $0xffff, v5;
	_ =	sdelay $0x1  }
0xd1: {  	s12 =	sadd.s32 $0x20, s12;
	[tilespmem:v4+s8+$0x0] =	vst.idx.add.s32.msk vm1, v2  }
0xd2: {  	v4 =	vld [tilespmem:s12+$0xFFFFFFF0];
	_ =	sdelay $0x2  }
0xd3: {  	v5, _, _ =	vpop (xrf0)  }
0xd4: {  	(v2sf) =	vpush v5, $0xF  }
0xd5: {  	v5 =	vshrl.u32 v4, $0x18;
	v4 =	vshrl.u32 v4, $0x10  }
0xd6: {  	vm2 =	veq.s32 v5, v3  }
0xd7: {  	v4 =	vand.u32 $0xFF, v4;
	_ =	sdelay $0x4  }
0xd8: {  	[tilespmem:v4+s8+$0x0] =	vst.idx.add.s32.msk vm2, v2  }
0xd9: {  	v4 =	vld [tilespmem:s12+$0x0];
	_ =	sdelay $0x2  }
.Ltmp3:
0xda: {  	(pc) =	sbr.rel @p0 .LBB2_7-.Ltmp3, $4  }
0xdb: {  	_ = 	snop  }
0xdc: {  	v5 =	vshrl.u32 v4, $0x18;
	v4 =	vshrl.u32 v4, $0x10  }
0xdd: {  	vm1 =	veq.s32 v5, v3;
	s14 =	spop (v2sf)  }
0xde: {  	s15 =	sshra.s32 s11, $0x2;
	s11 =	smov.u32 s16;
	v4 =	vand.u32 $0xFF, v4;
	vm2 =	vmor vm2, vm1;
	s14 =	sxor.u32 $0x80000000, s14  }
0xdf: {  	v0 =	vsel vm2, $0x1, v0  }
0xe0: {  	v0 =	vor.u32 $0x80000000, v0  }
0xe1: {  	(xrf0) =	vmax.scan.msk.u32 $0xffff, v0  }
0xe2: {  	v0 =	vnsel vm0, $0x0, v1  }
0xe3: {  	(xrf0) =	vadd.scan.msk.s32 $0xffff, v0;
	_ =	sdelay $0x3  }
0xe4: {  	v0, _, _ =	vpop (xrf0)  }
0xe5: {  	(v2sf) =	vpush v0, $0xF  }
0xe6: {  	v0, _, _ =	vpop (xrf0)  }
0xe7: {  	(v2sf) =	vpush v0, $0xF;
	_ =	sdelay $0xa  }
0xe8: {  	[tilespmem:v4+s8+$0x0] =	vst.idx.add.s32.msk vm1, v2;
	s19 =	simm.s32 $0x100;
	s13 =	simm.s32 $0x1300;
	s20 =	simm.s32 $0x1000  }
0xe9: {  	[spmem:s4] =	stream.indirect.scatter.add.s32 [tilespmem:s20], [sflag:$0x3], $0x1, s13, s19, $0xb8;
	[tilespmem:$0x1848] =	vst v63  }
0xea: {  	s12 =	spop (v2sf)  }
0xeb: {  	[smem:s15] =	sst s14;
	s11 =	sshra.s32 s11, $0x2;
	s12 =	sxor.u32 $0x80000000, s12  }
0xec: {  	s22 =	simm.s32 $0x3;
	s21 =	spop (v2sf);
	[smem:s11] =	sst s12  }
0xed: {  	_ =	swait.ge [sflag:s22], $0x100  }
0xee: {  	v0 =	vlaneseq.u32;
	[sflag:s22] =	ssyncset.done $0x0  }
0xef: {  	v1 =	vmul.u32 $0x10, v0;
	[sflag:s22] =	ssyncadd.s32 $0xFFFFFF00  }
0xf0: {  	s23 =	simm.s32 $0x1100;
	[bflag:$0x0] =	sbarrier.arrive $0xFFFF  }
0xf1: {  	v2 =	vor.u32 $0x1, v1;
	[tilespmem:s23], [sflag:$0x3] =	stream.linear.gather [spmem:s7], $0x100, $0x38;
	[tilespmem:$0x1848] =	vst v63  }
0xf2: {  	v3 =	vor.u32 $0x2, v1;
	_ =	swait.ge [sflag:s22], $0x100  }
0xf3: {  	v4 =	vor.u32 $0x3, v1;
	[sflag:s22] =	ssyncset.done $0x0  }
0xf4: {  	v5 =	vor.u32 $0x4, v1;
	[sflag:s22] =	ssyncadd.s32 $0xFFFFFF00  }
0xf5: {  	v7 =	vor.u32 $0x5, v1;
	v6 =	vld.idx.msk [tilespmem:v1+s23+$0x0], $0xffff  }
0xf6: {  	v8 =	vor.u32 $0x6, v1;
	v2 =	vld.idx.msk [tilespmem:v2+s23+$0x0], $0xffff  }
0xf7: {  	v9 =	vor.u32 $0x7, v1;
	v3 =	vld.idx.msk [tilespmem:v3+s23+$0x0], $0xffff  }
0xf8: {  	v10 =	vor.u32 $0x8, v1;
	v4 =	vld.idx.msk [tilespmem:v4+s23+$0x0], $0xffff  }
0xf9: {  	v11 =	vor.u32 $0x9, v1;
	v5 =	vld.idx.msk [tilespmem:v5+s23+$0x0], $0xffff  }
0xfa: {  	v12 =	vor.u32 $0xA, v1;
	v7 =	vld.idx.msk [tilespmem:v7+s23+$0x0], $0xffff  }
0xfb: {  	v58 =	vor.u32 $0xB, v1;
	v57 =	vld.idx.msk [tilespmem:v8+s23+$0x0], $0xffff;
	v2 =	vadd.s32 v6, v2  }
0xfc: {  	v59 =	vor.u32 $0xC, v1;
	v2 =	vadd.s32 v3, v2;
	v3 =	vld.idx.msk [tilespmem:v9+s23+$0x0], $0xffff  }
0xfd: {  	v60 =	vor.u32 $0xD, v1;
	v2 =	vadd.s32 v4, v2;
	v4 =	vld.idx.msk [tilespmem:v10+s23+$0x0], $0xffff  }
0xfe: {  	v61 =	vor.u32 $0xE, v1;
	v2 =	vadd.s32 v5, v2;
	v5 =	vld.idx.msk [tilespmem:v11+s23+$0x0], $0xffff  }
0xff: {  	v62 =	vld.idx.msk [tilespmem:v12+s23+$0x0], $0xffff;
	v1 =	vor.u32 $0xF, v1;
	v2 =	vadd.s32 v7, v2  }
0x100: {  	v63 =	vld.idx.msk [tilespmem:v58+s23+$0x0], $0xffff;
	v2 =	vadd.s32 v57, v2  }
0x101: {  	v2 =	vadd.s32 v3, v2;
	v3 =	vld.idx.msk [tilespmem:v59+s23+$0x0], $0xffff  }
0x102: {  	v2 =	vadd.s32 v4, v2;
	v4 =	vld.idx.msk [tilespmem:v60+s23+$0x0], $0xffff  }
0x103: {  	v2 =	vadd.s32 v5, v2;
	v5 =	vld.idx.msk [tilespmem:v61+s23+$0x0], $0xffff  }
0x104: {  	v1 =	vld.idx.msk [tilespmem:v1+s23+$0x0], $0xffff;
	v2 =	vadd.s32 v62, v2  }
0x105: {  	v2 =	vadd.s32 v63, v2  }
0x106: {  	v2 =	vadd.s32 v3, v2  }
0x107: {  	v0 =	vmul.u32 $0xFFFFFFFF, v0;
	v2 =	vadd.s32 v4, v2  }
0x108: {  	v2 =	vadd.s32 v5, v2  }
0x109: {  	v1 =	vadd.s32 v1, v2;
	v2 =	vadd.s32 $0xF, v0  }
0x10a: {  	v0 =	vperm.xlane v1, v2;
	_ =	sdelay $0x1  }
0x10b: {  	(xrf0) =	vadd.scan.msk.s32 $0xffff, v0;
	_ =	sdelay $0x5  }
0x10c: {  	v0, _, _ =	vpop (xrf0)  }
0x10d: {  	s24 =	ssub.s32 s21, s10;
	v1 =	vperm.xlane v0, v2  }
0x10e: {  	s8 =	sadd.s32 $0x2000, s24  }
0x10f: {  	v3 =	vimm.s32 $0x0;
	vm14 =	vge.s32 v1, s8  }
0x110: {  	v0 =	vsel vm14, $0x1, v3  }
0x111: {  	(xrf0) =	vadd.scan.msk.s32 $0xffff, v0;
	_ =	sdelay $0x5  }
0x112: {  	v0, _, _ =	vpop (xrf0)  }
0x113: {  	(v2sf) =	vpush v0, $0xF;
	_ =	sdelay $0xe  }
0x114: {  	s25 =	spop (v2sf)  }
0x115: {  	s7 =	sshll.u32 s25, $0x4  }
0x116: {  	v0 =	vld [tilespmem:s7+$0x10F0];
	_ =	sdelay $0x4  }
0x117: {  	v4 =	vperm.xlane v0, v2  }
0x118: {  	v1 =	vxor.u32 $0x80000000, v1  }
0x119: {  	v1 =	vnsel vm14, $0xFFFFFFFF, v1;
	(xrf0) =	vadd.scan.msk.s32 $0xffff, v4  }
0x11a: {  	(xrf0) =	vmin.scan.msk.u32 $0xffff, v1  }
0x11b: {  	(xrf0) =	vadd.scan.msk.s32 $0xffff, v0;
	_ =	sdelay $0x3  }
0x11c: {  	v1, _, _ =	vpop (xrf0)  }
0x11d: {  	v4, _, _ =	vpop (xrf0)  }
0x11e: {  	(v2sf) =	vpush v4, $0xF;
	v4, _, _ =	vpop (xrf0)  }
0x11f: {  	(v2sf) =	vpush v4, $0xF;
	_ =	sdelay $0xd  }
0x120: {  	s26 =	spop (v2sf)  }
0x121: {  	v1 =	vperm.xlane v1, v2;
	s10 =	sxor.u32 $0x80000000, s26;
	s28 =	spop (v2sf)  }
0x122: {  	s11 =	ssub.s32 s10, s28  }
0x123: {  	v1 =	vadd.s32 s11, v1  }
0x124: {  	vm15 =	vge.s32 v1, s8  }
0x125: {  	v2 =	vsel vm15, $0x1, v3  }
0x126: {  	(xrf0) =	vadd.scan.msk.s32 $0xffff, v2;
	_ =	sdelay $0x5  }
0x127: {  	v2, _, _ =	vpop (xrf0)  }
0x128: {  	[tilespmem:$0x1000] =	vst v3;
	(v2sf) =	vpush v2, $0xF  }
0x129: {  	[tilespmem:$0x1010] =	vst v3  }
0x12a: {  	[tilespmem:$0x1020] =	vst v3  }
0x12b: {  	[tilespmem:$0x1030] =	vst v3  }
0x12c: {  	[tilespmem:$0x1040] =	vst v3  }
0x12d: {  	[tilespmem:$0x1050] =	vst v3  }
0x12e: {  	[tilespmem:$0x1060] =	vst v3  }
0x12f: {  	[tilespmem:$0x1070] =	vst v3  }
0x130: {  	[tilespmem:$0x1080] =	vst v3  }
0x131: {  	[tilespmem:$0x1090] =	vst v3  }
0x132: {  	[tilespmem:$0x10A0] =	vst v3  }
0x133: {  	[tilespmem:$0x10B0] =	vst v3  }
0x134: {  	[tilespmem:$0x10C0] =	vst v3  }
0x135: {  	[tilespmem:$0x10D0] =	vst v3  }
0x136: {  	[tilespmem:$0x10E0] =	vst v3  }
0x137: {  	[tilespmem:$0x10F0] =	vst v3;
	s29 =	spop (v2sf)  }
0x138: {  	s30 =	sld [smem:$0x0];
	_ =	sdelay $0x2  }
0x139: {  	s11 =	simm.s32 $0x810;
	p0 =	seq.s32 s30, $0x0  }
0x13a: {  	v3 =	vld @!p0 [tilespmem:s11+$0xFFFFFFF0];
	_ =	sdelay $0x1  }
0x13b: {  	s7 =	sadd.s32 s29, s7  }
0x13c: {  	s9 =	sshll.u32 s9, $0x8;
	s7 =	sadd.s32 $0xFFFFFFEF, s7  }
0x13d: {  	s7 =	sor.u32 s9, s7  }
0x13e: {  	v2 =	vmov s7;
	v4 =	vshrl.u32 @!p0 v3, $0x10  }
0x13f: {  	v3 =	vshrl.u32 @!p0 v3, $0x8;
	vm0 =	veq.s32 @!p0 v4, v2  }
0x140: {  	v3 =	vand.u32 @!p0 $0xFF, v3;
	_ =	sdelay $0x3  }
0x141: {  	s13 =	simm.s32 @!p0 $0x1000;
	v4 =	vimm.s32 @!p0 $0x1  }
0x142: {  	[tilespmem:v3+s13+$0x0] =	vst.idx.add.s32.msk @!p0 vm0, v4  }
0x143: {  	v3 =	vld @!p0 [tilespmem:s11+$0x0];
	_ =	sdelay $0x4  }
0x144: {  	v5 =	vshrl.u32 @!p0 v3, $0x10  }
0x145: {  	vm1 =	veq.s32 @!p0 v5, v2  }
0x146: {  	v5 =	vimm.s32 @!p0 $0x0;
	vm0 =	vmor @!p0 vm0, vm1  }
0x147: {  	v5 =	vsel @!p0 vm0, $0x1, v5  }
0x148: {  	v5 =	vor.u32 @!p0 $0x80000000, v5  }
0x149: {  	(xrf0) =	vmax.scan.msk.u32 @!p0 $0xffff, v5;
	_ =	sdelay $0x5  }
0x14a: {  	v5, _, _ =	vpop @!p0 (xrf0)  }
0x14b: {  	(v2sf) =	vpush @!p0 v5, $0xF;
	_ =	sdelay $0x9  }
0x14c: {  	v3 =	vshrl.u32 @!p0 v3, $0x8  }
0x14d: {  	v5 =	vand.u32 @!p0 $0xFF, v3;
	_ =	sdelay $0x2  }
0x14e: {  	s31 =	simm.s32 $0x0  }
0x14f: {  	s12 =	simm.s32 $0x4;
	s9 =	simm.s32 $0x0;
	s14 =	spop @!p0 (v2sf)  }
0x150: {  	[smem:s31] =	sst s9;
	v3 =	vmov s8;
	[tilespmem:v5+s13+$0x0] =	vst.idx.add.s32.msk @!p0 vm1, v4;
	s13 =	simm.s32 @!p0 $0x0;
	s14 =	sxor.u32 @!p0 $0x80000000, s14  }
.LBB2_9:
0x151: {  	s15 =	sshra.s32 s12, $0x2  }
0x152: {  	[smem:s13] =	sst @!p0 s14;
	s13 =	smov.u32 s12;
	s12 =	sadd.s32 $0x4, s12  }
0x153: {  	s14 =	sld [smem:s15+$0x0];
	p1 =	sne.s32 s12, $0x100  }
0x154: {  	[smem:s15] =	sst s9;
	_ =	sdelay $0x1  }
0x155: {  	s11 =	sadd.s32 $0x20, s11;
	p0 =	seq.s32 s14, $0x0  }
0x156: {  	v4 =	vld @!p0 [tilespmem:s11+$0xFFFFFFF0];
	v5 =	vimm.s32 @!p0 $0x0;
	s13 =	sshra.s32 @!p0 s13, $0x2;
	_ =	sdelay $0x4  }
0x157: {  	v6 =	vshrl.u32 @!p0 v4, $0x10  }
0x158: {  	v4 =	vshrl.u32 @!p0 v4, $0x8;
	vm0 =	veq.s32 @!p0 v6, v2  }
0x159: {  	v4 =	vand.u32 @!p0 $0xFF, v4;
	_ =	sdelay $0x3  }
0x15a: {  	s14 =	simm.s32 @!p0 $0x1000;
	v6 =	vimm.s32 @!p0 $0x1  }
0x15b: {  	[tilespmem:v4+s14+$0x0] =	vst.idx.add.s32.msk @!p0 vm0, v6  }
0x15c: {  	v4 =	vld @!p0 [tilespmem:s11+$0x0];
	_ =	sdelay $0x4  }
0x15d: {  	v7 =	vshrl.u32 @!p0 v4, $0x10;
	v4 =	vshrl.u32 @!p0 v4, $0x8  }
0x15e: {  	vm1 =	veq.s32 @!p0 v7, v2;
	v4 =	vand.u32 @!p0 $0xFF, v4  }
0x15f: {  	vm0 =	vmor @!p0 vm0, vm1  }
0x160: {  	v5 =	vsel @!p0 vm0, $0x1, v5  }
0x161: {  	v5 =	vor.u32 @!p0 $0x80000000, v5  }
0x162: {  	(xrf0) =	vmax.scan.msk.u32 @!p0 $0xffff, v5;
	_ =	sdelay $0x1  }
0x163: {  	[tilespmem:v4+s14+$0x0] =	vst.idx.add.s32.msk @!p0 vm1, v6;
	_ =	sdelay $0x3  }
0x164: {  	v4, _, _ =	vpop @!p0 (xrf0)  }
0x165: {  	(v2sf) =	vpush @!p0 v4, $0xF;
	_ =	sdelay $0xb  }
.Ltmp4:
0x166: {  	(pc) =	sbr.rel @p1 .LBB2_9-.Ltmp4, $3  }
0x167: {  	_ =	sdelay $0x1  }
0x168: {  	s14 =	spop @!p0 (v2sf)  }
0x169: {  	s14 =	sxor.u32 @!p0 $0x80000000, s14  }
0x16a: {  	vm0 =	vge.s32 v1, v3  }
0x16b: {  	v0 =	vnsel vm0, $0x0, v0  }
0x16c: {  	(xrf0) =	vadd.scan.msk.s32 $0xffff, v0;
	_ =	sdelay $0x5  }
0x16d: {  	v0, _, _ =	vpop (xrf0)  }
0x16e: {  	(v2sf) =	vpush v0, $0xF;
	_ =	sdelay $0xc  }
0x16f: {  	s9 =	simm.s32 $0x100;
	s11 =	simm.s32 $0x1400;
	s12 =	simm.s32 $0x1000  }
0x170: {  	[spmem:s4] =	stream.indirect.scatter.add.s32 [tilespmem:s12], [sflag:$0x3], $0x1, s11, s9, $0xb8;
	[tilespmem:$0x1848] =	vst v63  }
0x171: {  	[smem:s13] =	sst @!p0 s14;
	s22 =	simm.s32 $0x3;
	s21 =	spop (v2sf)  }
0x172: {  	_ =	swait.ge [sflag:s22], $0x100  }
0x173: {  	v0 =	vlaneseq.u32;
	[sflag:s22] =	ssyncset.done $0x0  }
0x174: {  	v1 =	vmul.u32 $0x10, v0;
	[sflag:s22] =	ssyncadd.s32 $0xFFFFFF00  }
0x175: {  	s23 =	simm.s32 $0x1100;
	[bflag:$0x0] =	sbarrier.arrive $0xFFFF  }
0x176: {  	v2 =	vor.u32 $0x1, v1;
	[tilespmem:s23], [sflag:$0x3] =	stream.linear.gather [spmem:s6], $0x100, $0x38;
	[tilespmem:$0x1848] =	vst v63  }
0x177: {  	v3 =	vor.u32 $0x2, v1;
	_ =	swait.ge [sflag:s22], $0x100  }
0x178: {  	v4 =	vor.u32 $0x3, v1;
	[sflag:s22] =	ssyncset.done $0x0  }
0x179: {  	v5 =	vor.u32 $0x4, v1;
	[sflag:s22] =	ssyncadd.s32 $0xFFFFFF00  }
0x17a: {  	v7 =	vor.u32 $0x5, v1;
	v6 =	vld.idx.msk [tilespmem:v1+s23+$0x0], $0xffff  }
0x17b: {  	v8 =	vor.u32 $0x6, v1;
	v2 =	vld.idx.msk [tilespmem:v2+s23+$0x0], $0xffff  }
0x17c: {  	v9 =	vor.u32 $0x7, v1;
	v3 =	vld.idx.msk [tilespmem:v3+s23+$0x0], $0xffff  }
0x17d: {  	v10 =	vor.u32 $0x8, v1;
	v4 =	vld.idx.msk [tilespmem:v4+s23+$0x0], $0xffff  }
0x17e: {  	v11 =	vor.u32 $0x9, v1;
	v5 =	vld.idx.msk [tilespmem:v5+s23+$0x0], $0xffff  }
0x17f: {  	v12 =	vor.u32 $0xA, v1;
	v7 =	vld.idx.msk [tilespmem:v7+s23+$0x0], $0xffff  }
0x180: {  	v58 =	vor.u32 $0xB, v1;
	v57 =	vld.idx.msk [tilespmem:v8+s23+$0x0], $0xffff;
	v2 =	vadd.s32 v6, v2  }
0x181: {  	v59 =	vor.u32 $0xC, v1;
	v2 =	vadd.s32 v3, v2;
	v3 =	vld.idx.msk [tilespmem:v9+s23+$0x0], $0xffff  }
0x182: {  	v60 =	vor.u32 $0xD, v1;
	v2 =	vadd.s32 v4, v2;
	v4 =	vld.idx.msk [tilespmem:v10+s23+$0x0], $0xffff  }
0x183: {  	v61 =	vor.u32 $0xE, v1;
	v2 =	vadd.s32 v5, v2;
	v5 =	vld.idx.msk [tilespmem:v11+s23+$0x0], $0xffff  }
0x184: {  	v62 =	vld.idx.msk [tilespmem:v12+s23+$0x0], $0xffff;
	v1 =	vor.u32 $0xF, v1;
	v2 =	vadd.s32 v7, v2  }
0x185: {  	v63 =	vld.idx.msk [tilespmem:v58+s23+$0x0], $0xffff;
	v2 =	vadd.s32 v57, v2  }
0x186: {  	v2 =	vadd.s32 v3, v2;
	v3 =	vld.idx.msk [tilespmem:v59+s23+$0x0], $0xffff  }
0x187: {  	v2 =	vadd.s32 v4, v2;
	v4 =	vld.idx.msk [tilespmem:v60+s23+$0x0], $0xffff  }
0x188: {  	v2 =	vadd.s32 v5, v2;
	v5 =	vld.idx.msk [tilespmem:v61+s23+$0x0], $0xffff  }
0x189: {  	v1 =	vld.idx.msk [tilespmem:v1+s23+$0x0], $0xffff;
	v2 =	vadd.s32 v62, v2  }
0x18a: {  	v2 =	vadd.s32 v63, v2  }
0x18b: {  	v2 =	vadd.s32 v3, v2  }
0x18c: {  	v0 =	vmul.u32 $0xFFFFFFFF, v0;
	v2 =	vadd.s32 v4, v2  }
0x18d: {  	v2 =	vadd.s32 v5, v2  }
0x18e: {  	v1 =	vadd.s32 v1, v2;
	v2 =	vadd.s32 $0xF, v0  }
0x18f: {  	v0 =	vperm.xlane v1, v2;
	_ =	sdelay $0x1  }
0x190: {  	(xrf0) =	vadd.scan.msk.s32 $0xffff, v0;
	_ =	sdelay $0x5  }
0x191: {  	v0, _, _ =	vpop (xrf0)  }
0x192: {  	s24 =	ssub.s32 s8, s10;
	v1 =	vperm.xlane v0, v2  }
0x193: {  	s6 =	sadd.s32 s24, s21  }
0x194: {  	v3 =	vimm.s32 $0x0;
	vm14 =	vge.s32 v1, s6  }
0x195: {  	v0 =	vsel vm14, $0x1, v3  }
0x196: {  	(xrf0) =	vadd.scan.msk.s32 $0xffff, v0;
	_ =	sdelay $0x5  }
0x197: {  	v0, _, _ =	vpop (xrf0)  }
0x198: {  	(v2sf) =	vpush v0, $0xF;
	_ =	sdelay $0xe  }
0x199: {  	s25 =	spop (v2sf)  }
0x19a: {  	s26 =	sshll.u32 s25, $0x4  }
0x19b: {  	v0 =	vld [tilespmem:s26+$0x10F0];
	_ =	sdelay $0x4  }
0x19c: {  	v4 =	vperm.xlane v0, v2  }
0x19d: {  	v1 =	vxor.u32 $0x80000000, v1  }
0x19e: {  	v1 =	vnsel vm14, $0xFFFFFFFF, v1;
	(xrf0) =	vadd.scan.msk.s32 $0xffff, v4  }
0x19f: {  	(xrf0) =	vmin.scan.msk.u32 $0xffff, v1  }
0x1a0: {  	(xrf0) =	vadd.scan.msk.s32 $0xffff, v0;
	_ =	sdelay $0x3  }
0x1a1: {  	v1, _, _ =	vpop (xrf0)  }
0x1a2: {  	v4, _, _ =	vpop (xrf0)  }
0x1a3: {  	(v2sf) =	vpush v4, $0xF;
	v4, _, _ =	vpop (xrf0)  }
0x1a4: {  	(v2sf) =	vpush v4, $0xF;
	_ =	sdelay $0xd  }
0x1a5: {  	s28 =	spop (v2sf)  }
0x1a6: {  	v1 =	vperm.xlane v1, v2;
	s8 =	sxor.u32 $0x80000000, s28;
	s29 =	spop (v2sf)  }
0x1a7: {  	s9 =	ssub.s32 s8, s29  }
0x1a8: {  	v1 =	vadd.s32 s9, v1  }
0x1a9: {  	vm15 =	vge.s32 v1, s6  }
0x1aa: {  	v2 =	vsel vm15, $0x1, v3  }
0x1ab: {  	(xrf0) =	vadd.scan.msk.s32 $0xffff, v2;
	_ =	sdelay $0x5  }
0x1ac: {  	v2, _, _ =	vpop (xrf0)  }
0x1ad: {  	[tilespmem:$0x1000] =	vst v3;
	(v2sf) =	vpush v2, $0xF  }
0x1ae: {  	[tilespmem:$0x1010] =	vst v3  }
0x1af: {  	[tilespmem:$0x1020] =	vst v3  }
0x1b0: {  	[tilespmem:$0x1030] =	vst v3  }
0x1b1: {  	[tilespmem:$0x1040] =	vst v3  }
0x1b2: {  	[tilespmem:$0x1050] =	vst v3  }
0x1b3: {  	[tilespmem:$0x1060] =	vst v3  }
0x1b4: {  	[tilespmem:$0x1070] =	vst v3  }
0x1b5: {  	[tilespmem:$0x1080] =	vst v3  }
0x1b6: {  	[tilespmem:$0x1090] =	vst v3  }
0x1b7: {  	[tilespmem:$0x10A0] =	vst v3  }
0x1b8: {  	[tilespmem:$0x10B0] =	vst v3  }
0x1b9: {  	[tilespmem:$0x10C0] =	vst v3  }
0x1ba: {  	[tilespmem:$0x10D0] =	vst v3  }
0x1bb: {  	[tilespmem:$0x10E0] =	vst v3  }
0x1bc: {  	[tilespmem:$0x10F0] =	vst v3;
	s30 =	spop (v2sf)  }
0x1bd: {  	s12 =	sld [smem:$0x0];
	_ =	sdelay $0x2  }
0x1be: {  	s9 =	simm.s32 $0x810;
	p0 =	seq.s32 s12, $0x0  }
0x1bf: {  	v3 =	vld @!p0 [tilespmem:s9+$0xFFFFFFF0];
	_ =	sdelay $0x1  }
0x1c0: {  	s10 =	sadd.s32 s30, s26  }
0x1c1: {  	s7 =	sshll.u32 s7, $0x8;
	s10 =	sadd.s32 $0xFFFFFFEF, s10  }
0x1c2: {  	s7 =	sor.u32 s7, s10  }
0x1c3: {  	v2 =	vmov s7;
	v4 =	vshrl.u32 @!p0 v3, $0x8  }
0x1c4: {  	vm0 =	veq.s32 @!p0 v4, v2  }
0x1c5: {  	v3 =	vand.u32 @!p0 $0xFF, v3;
	_ =	sdelay $0x3  }
0x1c6: {  	s12 =	simm.s32 @!p0 $0x1000;
	v4 =	vimm.s32 @!p0 $0x1  }
0x1c7: {  	[tilespmem:v3+s12+$0x0] =	vst.idx.add.s32.msk @!p0 vm0, v4  }
0x1c8: {  	v3 =	vld @!p0 [tilespmem:s9+$0x0];
	_ =	sdelay $0x4  }
0x1c9: {  	v5 =	vshrl.u32 @!p0 v3, $0x8  }
0x1ca: {  	vm1 =	veq.s32 @!p0 v5, v2  }
0x1cb: {  	v5 =	vimm.s32 @!p0 $0x0;
	vm0 =	vmor @!p0 vm0, vm1  }
0x1cc: {  	v5 =	vsel @!p0 vm0, $0x1, v5  }
0x1cd: {  	v5 =	vor.u32 @!p0 $0x80000000, v5  }
0x1ce: {  	(xrf0) =	vmax.scan.msk.u32 @!p0 $0xffff, v5;
	_ =	sdelay $0x5  }
0x1cf: {  	v5, _, _ =	vpop @!p0 (xrf0)  }
0x1d0: {  	(v2sf) =	vpush @!p0 v5, $0xF;
	_ =	sdelay $0xa  }
0x1d1: {  	v5 =	vand.u32 @!p0 $0xFF, v3;
	_ =	sdelay $0x2  }
0x1d2: {  	s31 =	simm.s32 $0x0  }
0x1d3: {  	s11 =	simm.s32 $0x4;
	s10 =	simm.s32 $0x0;
	s13 =	spop @!p0 (v2sf)  }
0x1d4: {  	[smem:s31] =	sst s10;
	v3 =	vmov s6;
	[tilespmem:v5+s12+$0x0] =	vst.idx.add.s32.msk @!p0 vm1, v4;
	s12 =	simm.s32 @!p0 $0x0;
	s13 =	sxor.u32 @!p0 $0x80000000, s13  }
.LBB2_11:
0x1d5: {  	s14 =	sshra.s32 s11, $0x2  }
0x1d6: {  	[smem:s12] =	sst @!p0 s13;
	s12 =	smov.u32 s11;
	s11 =	sadd.s32 $0x4, s11  }
0x1d7: {  	s13 =	sld [smem:s14+$0x0];
	p1 =	sne.s32 s11, $0x100  }
0x1d8: {  	[smem:s14] =	sst s10;
	_ =	sdelay $0x1  }
0x1d9: {  	s9 =	sadd.s32 $0x20, s9;
	p0 =	seq.s32 s13, $0x0  }
0x1da: {  	v4 =	vld @!p0 [tilespmem:s9+$0xFFFFFFF0];
	v5 =	vimm.s32 @!p0 $0x0;
	s12 =	sshra.s32 @!p0 s12, $0x2;
	_ =	sdelay $0x4  }
0x1db: {  	v6 =	vshrl.u32 @!p0 v4, $0x8  }
0x1dc: {  	vm0 =	veq.s32 @!p0 v6, v2  }
0x1dd: {  	v4 =	vand.u32 @!p0 $0xFF, v4;
	_ =	sdelay $0x3  }
0x1de: {  	s13 =	simm.s32 @!p0 $0x1000;
	v6 =	vimm.s32 @!p0 $0x1  }
0x1df: {  	[tilespmem:v4+s13+$0x0] =	vst.idx.add.s32.msk @!p0 vm0, v6  }
0x1e0: {  	v4 =	vld @!p0 [tilespmem:s9+$0x0];
	_ =	sdelay $0x4  }
0x1e1: {  	v7 =	vshrl.u32 @!p0 v4, $0x8;
	v4 =	vand.u32 @!p0 $0xFF, v4  }
0x1e2: {  	vm1 =	veq.s32 @!p0 v7, v2  }
0x1e3: {  	vm0 =	vmor @!p0 vm0, vm1  }
0x1e4: {  	v5 =	vsel @!p0 vm0, $0x1, v5  }
0x1e5: {  	v5 =	vor.u32 @!p0 $0x80000000, v5  }
0x1e6: {  	(xrf0) =	vmax.scan.msk.u32 @!p0 $0xffff, v5;
	_ =	sdelay $0x1  }
0x1e7: {  	[tilespmem:v4+s13+$0x0] =	vst.idx.add.s32.msk @!p0 vm1, v6;
	_ =	sdelay $0x3  }
0x1e8: {  	v4, _, _ =	vpop @!p0 (xrf0)  }
0x1e9: {  	(v2sf) =	vpush @!p0 v4, $0xF;
	_ =	sdelay $0xb  }
.Ltmp5:
0x1ea: {  	(pc) =	sbr.rel @p1 .LBB2_11-.Ltmp5, $3  }
0x1eb: {  	_ =	sdelay $0x1  }
0x1ec: {  	s13 =	spop @!p0 (v2sf)  }
0x1ed: {  	s13 =	sxor.u32 @!p0 $0x80000000, s13  }
0x1ee: {  	vm0 =	vge.s32 v1, v3  }
0x1ef: {  	v0 =	vnsel vm0, $0x0, v0  }
0x1f0: {  	(xrf0) =	vadd.scan.msk.s32 $0xffff, v0;
	_ =	sdelay $0x5  }
0x1f1: {  	v0, _, _ =	vpop (xrf0)  }
0x1f2: {  	(v2sf) =	vpush v0, $0xF;
	_ =	sdelay $0xc  }
0x1f3: {  	s9 =	simm.s32 $0x100;
	s10 =	simm.s32 $0x1500;
	s11 =	simm.s32 $0x1000  }
0x1f4: {  	[spmem:s4] =	stream.indirect.scatter.add.s32 [tilespmem:s11], [sflag:$0x3], $0x1, s10, s9, $0xb8;
	[tilespmem:$0x1848] =	vst v63  }
0x1f5: {  	[smem:s12] =	sst @!p0 s13;
	s22 =	simm.s32 $0x3;
	s21 =	spop (v2sf)  }
0x1f6: {  	_ =	swait.ge [sflag:s22], $0x100  }
0x1f7: {  	v0 =	vlaneseq.u32;
	[sflag:s22] =	ssyncset.done $0x0  }
0x1f8: {  	v1 =	vmul.u32 $0x10, v0;
	[sflag:s22] =	ssyncadd.s32 $0xFFFFFF00  }
0x1f9: {  	s23 =	simm.s32 $0x1100;
	[bflag:$0x0] =	sbarrier.arrive $0xFFFF  }
0x1fa: {  	v2 =	vor.u32 $0x1, v1;
	[tilespmem:s23], [sflag:$0x3] =	stream.linear.gather [spmem:s5], $0x100, $0x38;
	[tilespmem:$0x1848] =	vst v63  }
0x1fb: {  	v3 =	vor.u32 $0x2, v1;
	_ =	swait.ge [sflag:s22], $0x100  }
0x1fc: {  	v4 =	vor.u32 $0x3, v1;
	[sflag:s22] =	ssyncset.done $0x0  }
0x1fd: {  	v5 =	vor.u32 $0x4, v1;
	[sflag:s22] =	ssyncadd.s32 $0xFFFFFF00  }
0x1fe: {  	v7 =	vor.u32 $0x5, v1;
	v6 =	vld.idx.msk [tilespmem:v1+s23+$0x0], $0xffff  }
0x1ff: {  	v8 =	vor.u32 $0x6, v1;
	v2 =	vld.idx.msk [tilespmem:v2+s23+$0x0], $0xffff  }
0x200: {  	v9 =	vor.u32 $0x7, v1;
	v3 =	vld.idx.msk [tilespmem:v3+s23+$0x0], $0xffff  }
0x201: {  	v10 =	vor.u32 $0x8, v1;
	v4 =	vld.idx.msk [tilespmem:v4+s23+$0x0], $0xffff  }
0x202: {  	v11 =	vor.u32 $0x9, v1;
	v5 =	vld.idx.msk [tilespmem:v5+s23+$0x0], $0xffff  }
0x203: {  	v12 =	vor.u32 $0xA, v1;
	v7 =	vld.idx.msk [tilespmem:v7+s23+$0x0], $0xffff  }
0x204: {  	v2 =	vadd.s32 v6, v2;
	v6 =	vld.idx.msk [tilespmem:v8+s23+$0x0], $0xffff;
	v8 =	vor.u32 $0xB, v1  }
0x205: {  	v2 =	vadd.s32 v3, v2;
	v3 =	vld.idx.msk [tilespmem:v9+s23+$0x0], $0xffff;
	v9 =	vor.u32 $0xC, v1  }
0x206: {  	v2 =	vadd.s32 v4, v2;
	v4 =	vld.idx.msk [tilespmem:v10+s23+$0x0], $0xffff;
	v10 =	vor.u32 $0xD, v1  }
0x207: {  	v2 =	vadd.s32 v5, v2;
	v5 =	vld.idx.msk [tilespmem:v11+s23+$0x0], $0xffff;
	v11 =	vor.u32 $0xE, v1  }
0x208: {  	v1 =	vor.u32 $0xF, v1;
	v2 =	vadd.s32 v7, v2;
	v7 =	vld.idx.msk [tilespmem:v12+s23+$0x0], $0xffff  }
0x209: {  	v2 =	vadd.s32 v6, v2;
	v6 =	vld.idx.msk [tilespmem:v8+s23+$0x0], $0xffff  }
0x20a: {  	v2 =	vadd.s32 v3, v2;
	v3 =	vld.idx.msk [tilespmem:v9+s23+$0x0], $0xffff  }
0x20b: {  	v2 =	vadd.s32 v4, v2;
	v4 =	vld.idx.msk [tilespmem:v10+s23+$0x0], $0xffff  }
0x20c: {  	v2 =	vadd.s32 v5, v2;
	v5 =	vld.idx.msk [tilespmem:v11+s23+$0x0], $0xffff  }
0x20d: {  	v1 =	vld.idx.msk [tilespmem:v1+s23+$0x0], $0xffff;
	v2 =	vadd.s32 v7, v2  }
0x20e: {  	v2 =	vadd.s32 v6, v2  }
0x20f: {  	v2 =	vadd.s32 v3, v2  }
0x210: {  	v0 =	vmul.u32 $0xFFFFFFFF, v0;
	v2 =	vadd.s32 v4, v2  }
0x211: {  	v2 =	vadd.s32 v5, v2  }
0x212: {  	v1 =	vadd.s32 v1, v2;
	v2 =	vadd.s32 $0xF, v0  }
0x213: {  	v0 =	vperm.xlane v1, v2;
	_ =	sdelay $0x1  }
0x214: {  	(xrf0) =	vadd.scan.msk.s32 $0xffff, v0;
	_ =	sdelay $0x5  }
0x215: {  	v0, _, _ =	vpop (xrf0)  }
0x216: {  	s24 =	ssub.s32 s6, s8;
	v1 =	vperm.xlane v0, v2  }
0x217: {  	s4 =	sadd.s32 s24, s21  }
0x218: {  	v3 =	vimm.s32 $0x0;
	vm13 =	vge.s32 v1, s4  }
0x219: {  	v0 =	vsel vm13, $0x1, v3  }
0x21a: {  	(xrf0) =	vadd.scan.msk.s32 $0xffff, v0;
	_ =	sdelay $0x5  }
0x21b: {  	v0, _, _ =	vpop (xrf0)  }
0x21c: {  	(v2sf) =	vpush v0, $0xF;
	_ =	sdelay $0xe  }
0x21d: {  	s25 =	spop (v2sf)  }
0x21e: {  	s26 =	sshll.u32 s25, $0x4  }
0x21f: {  	v0 =	vld [tilespmem:s26+$0x10F0];
	_ =	sdelay $0x1  }
0x220: {  	v1 =	vxor.u32 $0x80000000, v1  }
0x221: {  	v1 =	vnsel vm13, $0xFFFFFFFF, v1  }
0x222: {  	(xrf0) =	vmin.scan.msk.u32 $0xffff, v1  }
0x223: {  	(xrf0) =	vadd.scan.msk.s32 $0xffff, v0;
	_ =	sdelay $0x4  }
0x224: {  	v1, _, _ =	vpop (xrf0)  }
0x225: {  	(v2sf) =	vpush v1, $0xF;
	v1, _, _ =	vpop (xrf0)  }
0x226: {  	(v2sf) =	vpush v1, $0xF;
	_ =	sdelay $0x5  }
0x227: {  	v1 =	vperm.xlane v0, v2;
	_ =	sdelay $0x1  }
0x228: {  	(xrf0) =	vadd.scan.msk.s32 $0xffff, v1;
	_ =	sdelay $0x5  }
0x229: {  	s28 =	spop (v2sf);
	v1, _, _ =	vpop (xrf0)  }
0x22a: {  	s5 =	sxor.u32 $0x80000000, s28;
	v1 =	vperm.xlane v1, v2;
	s29 =	spop (v2sf)  }
0x22b: {  	s8 =	ssub.s32 s5, s29  }
0x22c: {  	v1 =	vadd.s32 s8, v1  }
0x22d: {  	vm14 =	vge.s32 v1, s4  }
0x22e: {  	v2 =	vsel vm14, $0x1, v3  }
0x22f: {  	(xrf0) =	vadd.scan.msk.s32 $0xffff, v2;
	_ =	sdelay $0x5  }
0x230: {  	v2, _, _ =	vpop (xrf0)  }
0x231: {  	(v2sf) =	vpush v2, $0xF;
	_ =	sdelay $0xd  }
0x232: {  	s30 =	simm.s32 $0x0  }
0x233: {  	v2 =	vld [tilespmem:s30+$0x800];
	s31 =	spop (v2sf)  }
0x234: {  	v11 =	vld [tilespmem:s30+$0x810];
	s6 =	sadd.s32 s31, s26  }
0x235: {  	s7 =	sshll.u32 s7, $0x8;
	v6 =	vld [tilespmem:s30+$0x0];
	s6 =	sadd.s32 $0xFFFFFFEF, s6  }
0x236: {  	v7 =	vld [tilespmem:s30+$0x820];
	s6 =	sor.u32 s7, s6  }
0x237: {  	v4 =	vld [tilespmem:s30+$0x10];
	s7 =	sxor.u32 $0x80000000, s6  }
0x238: {  	v5 =	vld [tilespmem:s30+$0x20];
	v8 =	vxor.u32 $0x80000000, v2;
	v3 =	vmov s7  }
0x239: {  	v9 =	vimm.f32 $0.0e+00;
	vm15 =	vgt.s32 v8, v3;
	v8 =	vld [tilespmem:s30+$0x830]  }
0x23a: {  	v11 =	vxor.u32 $0x80000000, v11;
	s8 =	simm.s32 $0x200;
	v2 =	vmov s4;
	s7 =	simm.s32 $0x40;
	v10 =	vnsel vm15, $0x0, v6;
	v6 =	vld [tilespmem:s30+$0x30]  }
.LBB2_13:
0x23b: {  	p0 =	sne.s32 s8, $0x1F00;
	v12 =	vld [tilespmem:s7+$0x800];
	v9 =	vadd.f32 v10, v9;
	vm0 =	vgt.s32 v11, v3  }
0x23c: {  	v10 =	vld [tilespmem:s7+$0x0];
	v4 =	vnsel vm0, $0x0, v4;
	v7 =	vxor.u32 $0x80000000, v7  }
0x23d: {  	v11 =	vld [tilespmem:s7+$0x810];
	v9 =	vadd.f32 v4, v9;
	vm0 =	vgt.s32 v7, v3  }
.Ltmp6:
0x23e: {  	v4 =	vld [tilespmem:s7+$0x10];
	v5 =	vnsel vm0, $0x0, v5;
	v8 =	vxor.u32 $0x80000000, v8;
	(pc) =	sbr.rel @p0 .LBB2_13-.Ltmp6, $4  }
0x23f: {  	v7 =	vld [tilespmem:s7+$0x820];
	v9 =	vadd.f32 v5, v9;
	vm0 =	vgt.s32 v8, v3  }
0x240: {  	v8 =	vxor.u32 $0x80000000, v12;
	v5 =	vld [tilespmem:s7+$0x20];
	v6 =	vnsel vm0, $0x0, v6  }
0x241: {  	vm0 =	vgt.s32 v8, v3;
	v8 =	vld [tilespmem:s7+$0x830];
	v9 =	vadd.f32 v6, v9  }
0x242: {  	v10 =	vnsel vm0, $0x0, v10;
	v11 =	vxor.u32 $0x80000000, v11;
	v6 =	vld [tilespmem:s7+$0x30];
	s7 =	sshra.s32 s8, $0x2;
	s8 =	sadd.s32 $0x100, s8  }
0x243: {  	v12 =	vld [tilespmem:s7+$0x800];
	v9 =	vadd.f32 v10, v9;
	vm0 =	vgt.s32 v11, v3  }
0x244: {  	v51 =	vld [tilespmem:s7+$0x0];
	v4 =	vnsel vm0, $0x0, v4;
	v7 =	vxor.u32 $0x80000000, v7  }
0x245: {  	v52 =	vld [tilespmem:s7+$0x810];
	v4 =	vadd.f32 v4, v9;
	vm10 =	vgt.s32 v7, v3  }
0x246: {  	v53 =	vld [tilespmem:s7+$0x10];
	v5 =	vnsel vm10, $0x0, v5;
	v8 =	vxor.u32 $0x80000000, v8  }
0x247: {  	v54 =	vld [tilespmem:s7+$0x820];
	v4 =	vadd.f32 v5, v4;
	vm11 =	vgt.s32 v8, v3  }
0x248: {  	v56 =	vld [tilespmem:s7+$0x20];
	v55 =	vxor.u32 $0x80000000, v12;
	v6 =	vnsel vm11, $0x0, v6  }
0x249: {  	v57 =	vld [tilespmem:s7+$0x830];
	vm12 =	vgt.s32 v55, v3;
	v4 =	vadd.f32 v6, v4  }
0x24a: {  	v59 =	vxor.u32 $0x80000000, v52;
	v58 =	vnsel vm12, $0x0, v51  }
0x24b: {  	v60 =	vld [tilespmem:s7+$0x30];
	vm13 =	vgt.s32 v59, v3;
	v4 =	vadd.f32 v58, v4  }
0x24c: {  	v62 =	vxor.u32 $0x80000000, v54;
	v61 =	vnsel vm13, $0x0, v53  }
0x24d: {  	vm14 =	vgt.s32 v62, v3;
	v4 =	vadd.f32 v61, v4  }
0x24e: {  	v5 =	vxor.u32 $0x80000000, v57;
	v63 =	vnsel vm14, $0x0, v56  }
0x24f: {  	vm15 =	vgt.s32 v5, v3;
	v4 =	vadd.f32 v63, v4  }
0x250: {  	v3 =	vnsel vm15, $0x0, v60  }
0x251: {  	v3 =	vadd.f32 v3, v4;
	_ =	sdelay $0x1  }
0x252: {  	(xrf2) =	vadd.scan.msk.f32 $0xffff, v3;
	_ =	sdelay $0x9  }
0x253: {  	v3, _, _ =	vpop (xrf2)  }
0x254: {  	v3 =	vbroadcast v3, $0xF  }
0x255: {  	s29 =	simm.s32 $0x10  }
0x256: {  	s8 =	simm.s32 $0x1600;
	s9 =	simm.s32 $0x1680;
	s30 =	simm.s32 $0x3;
	[tilespmem:$0x1680] =	vst v3  }
0x257: {  	[spmem:s2] =	stream.indirect.scatter.add.f32 [tilespmem:s9], [sflag:$0x3], $0x1, s8, s29, $0xb8;
	[tilespmem:$0x1848] =	vst v63  }
0x258: {  	_ =	swait.ge [sflag:s30], $0x10  }
0x259: {  	[sflag:s30] =	ssyncset.done $0x0  }
0x25a: {  	[sflag:s30] =	ssyncadd.s32 $0xFFFFFFF0  }
0x25b: {  	s31 =	simm.s32 $0x1700;
	[bflag:$0x0] =	sbarrier.arrive $0xFFFF  }
0x25c: {  	[tilespmem:s31], [sflag:$0x3] =	stream.linear.gather [spmem:s2], $0x80, $0x38;
	[tilespmem:$0x1848] =	vst v63  }
0x25d: {  	_ =	swait.ge [sflag:s30], $0x80  }
0x25e: {  	[sflag:s30] =	ssyncset.done $0x0  }
0x25f: {  	p0 =	sne.s32 s3, $0x0;
	[sflag:s30] =	ssyncadd.s32 $0xFFFFFF80  }
0x260: {  	_ =	sfence.sel @p0 $0x180000  }
0x261: {  	[bflag:$0x0] =	sbarrier.arrive @p0 $0xFFFF  }
0x262: {  	vm0 =	vge.s32 @!p0 v1, v2;
	_ =	strace @p0 $0x90000047  }
0x263: {  	v0 =	vnsel @!p0 vm0, $0x0, v0;
	[bflag:$0x2] =	sbarrier.arrive @p0 $0xFFFF  }
0x264: {  	(xrf0) =	vadd.scan.msk.s32 @!p0 $0xffff, v0;
	_ =	sdelay $0x5  }
0x265: {  	v0, _, _ =	vpop @!p0 (xrf0)  }
0x266: {  	(v2sf) =	vpush @!p0 v0, $0xF;
	_ =	sdelay $0xe  }
0x267: {  	s2 =	ssub.s32 @!p0 s4, s5;
	s3 =	spop @!p0 (v2sf)  }
0x268: {  	v0 =	vmov @!p0 s6;
	s2 =	sadd.s32 @!p0 s3, s2  }
0x269: {  	v0 =	vxor.u32 @!p0 $0x80000000, v0;
	v1 =	vmov @!p0 s2  }
0x26a: {  	v0 =	vbroadcast @!p0 v0, $0x0;
	v1 =	vcvt.s32.f32 @!p0 v1  }
0x26b: {  	v2 =	vld @!p0 [tilespmem:$0x1700]  }
0x26c: {  	vm0 =	vlt.s32 @!p0 v0, $0x0;
	v3 =	vxor.u32 @!p0 $0x7FFFFFFF, v0;
	v1 =	vbroadcast @!p0 v1, $0x0  }
0x26d: {  	v0 =	vsel @!p0 vm0, v3, v0  }
0x26e: {  	v0 =	vmul.f32 @!p0 v0, v1;
	_ =	sdelay $0x1  }
0x26f: {  	v0 =	vadd.f32 @!p0 v2, v0;
	_ =	sdelay $0x1  }
0x270: {  	v0 =	vmul.f32 @!p0 $1.220703130e-04, v0;
	_ =	sdelay $0x1  }
0x271: {  	s3 =	simm.s32 @!p0 $0x1780;
	s2 =	simm.s32 @!p0 $0x0;
	[tilespmem:$0x1780] =	vst @!p0 v0  }
0x272: {  	[hbm4b:s1+s2] =	stream.linear.scatter @!p0 [tilespmem:s3], [sflag:$0x3], $0x1, $0x38;
	[tilespmem:$0x1848] =	vst v63  }
0x273: {  	s1 =	simm.s32 @!p0 $0x3  }
0x274: {  	_ =	swait.ge @!p0 [sflag:s1], $0x1  }
0x275: {  	[sflag:s1] =	ssyncset.done @!p0 $0x0  }
0x276: {  	[sflag:s1] =	ssyncadd.s32 @!p0 $0xFFFFFFFF  }
0x277: {  	_ =	sfence.sel @!p0 $0x180000  }
0x278: {  	[bflag:$0x0] =	sbarrier.arrive @!p0 $0xFFFF  }
0x279: {  	_ =	strace @!p0 $0x90000047  }
0x27a: {  	s0 =	sadd.s32 @!p0 $0x100000, s0;
	[bflag:$0x2] =	sbarrier.arrive @!p0 $0xFFFF  }
0x27b: {  	[sflag:s0] =	ssyncadd.tile.s32 @!p0 $0x1;
	_ =	shalt  }
.Lfunc_end2:
_tile_overlayer_lowered:
.L_overlay_start_2:
0x27c: {  	(tag) =	ssettag $0x2  }
0x27d: {  	s0 =	rddreg [dreg:$0x0];
	s2 =	stileid.u32  }
0x27e: {  	s1 =	rddreg [dreg:$0x1];
	p0 =	sne.s32 s2, $0x0  }
0x27f: {  	s3 =	rddreg [dreg:$0x2];
	[bflag:$0x3] =	sbarrier.arrive $0xFFFF;
	s2 =	simm.s32 @!p0 $0x1C03  }
0x280: {  	[timem:s3], [sflag:s2] =	dma.local @!p0 [hbm:s0], s1  }
0x281: {  	s0 =	simm.s32 @!p0 $0x3  }
0x282: {  	_ =	swait.ge @!p0 [sflag:s0], s1  }
0x283: {  	s1 =	ssub.s32 @!p0 $0x0, s1;
	[sflag:s0] =	ssyncset.done @!p0 $0x0  }
0x284: {  	[sflag:s0] =	ssyncadd.s32 @!p0 s1  }
0x285: {  	[bflag:$0x3] =	sbarrier.arrive $0xFFFF  }
0x286: {  	_ =	shalt  }

</sc_bundles>
